<compile_context>
chip_gen: v7x
topology: tpu7x:2x2x1
jax: 0.10.2.dev20260603
libtpu: 0.0.44.dev20260713+nightly
codegen_flags: <defaults>
</compile_context>

<pallas_src>
import functools

import jax
import jax.numpy as jnp
from jax import lax
from jax.experimental import pallas as pl
from jax.experimental.pallas import tpu as pltpu
from jax.experimental.pallas import tpu_sc as plsc

_SC_NC = 2
_SC_NS = 16
_NW = _SC_NC * _SC_NS
_C = 128
_CS = 88



def _sc_body(per_w, n_chunks, per_w_s, n_chunks_s, nd,
             emb_h, rel_h, ent_h, sid_h, prod_h, selfs_h,
             idx_a, idx_b, a_v, b_v, s_idx, s_v, sem_a, sem_b):
    wid = lax.axis_index("s") * _SC_NC + lax.axis_index("c")
    base = wid * per_w

    def chunk(i, carry):
        off = base + i * _C
        pltpu.sync_copy(rel_h.at[pl.ds(off, _C)], idx_a)
        pltpu.sync_copy(ent_h.at[pl.ds(off, _C)], idx_b)
        ca = pltpu.async_copy(emb_h.at[idx_a], a_v, sem_a)
        cb = pltpu.async_copy(emb_h.at[idx_b], b_v, sem_b)
        ca.wait()
        cb.wait()

        def row(r, c2):
            for j in range(nd):
                s = pl.ds(j * 16, 16)
                a_v[r, s] = a_v[r, s] * b_v[r, s]
            return c2

        lax.fori_loop(0, _C, row, 0)
        pltpu.sync_copy(a_v, prod_h.at[pl.ds(off, _C)])
        return carry

    lax.fori_loop(0, n_chunks, chunk, 0)

    base_s = wid * per_w_s

    def schunk(i, carry):
        off = base_s + i * _CS
        pltpu.sync_copy(sid_h.at[pl.ds(off, _CS)], s_idx)
        pltpu.async_copy(emb_h.at[s_idx], s_v, sem_a).wait()
        pltpu.sync_copy(s_v, selfs_h.at[pl.ds(off, _CS)])
        return carry

    lax.fori_loop(0, n_chunks_s, schunk, 0)


def _sc_gather_prod(emb, rel, ent, sid):
    n, d = rel.shape[0], emb.shape[1]
    per_w = n // _NW
    n_chunks = per_w // _C
    ns = sid.shape[0]
    per_w_s = ns // _NW
    n_chunks_s = per_w_s // _CS
    body = functools.partial(_sc_body, per_w, n_chunks, per_w_s, n_chunks_s,
                             d // 16)
    f = pl.kernel(
        body,
        out_type=(jax.ShapeDtypeStruct((n, d), jnp.float32),
                  jax.ShapeDtypeStruct((ns, d), jnp.float32)),
        mesh=plsc.VectorSubcoreMesh(core_axis_name="c", subcore_axis_name="s",
                                    num_cores=_SC_NC, num_subcores=_SC_NS),
        scratch_types=[
            pltpu.VMEM((_C,), jnp.int32),
            pltpu.VMEM((_C,), jnp.int32),
            pltpu.VMEM((_C, d), jnp.float32),
            pltpu.VMEM((_C, d), jnp.float32),
            pltpu.VMEM((_CS,), jnp.int32),
            pltpu.VMEM((_CS, d), jnp.float32),
            pltpu.SemaphoreType.DMA,
            pltpu.SemaphoreType.DMA,
        ])
    return f(emb, rel, ent, sid)



def _nbr_body(pad, prod_ref, rels_ref, selfs_ref, pw_ref, pb_ref,
              gwl_ref, gwr_ref, gb_ref, out_ref):
    t, maxn, d = prod_ref.shape
    x = prod_ref[...].reshape(t * maxn, d)
    nv = jnp.dot(x, pw_ref[...], preferred_element_type=jnp.float32) + pb_ref[...]
    nv = jnp.where(nv >= 0, nv, 0.01 * nv)
    mask = (rels_ref[...] != pad).astype(jnp.float32)
    nv = nv.reshape(t, maxn, d) * mask[:, :, None]
    cnt = jnp.sum(mask, axis=1, keepdims=True)
    agg = jnp.sum(nv, axis=1) / (cnt + 1e-9)
    se = selfs_ref[...]
    logit = (jnp.sum(se * gwl_ref[...], axis=1, keepdims=True)
             + jnp.sum(agg * gwr_ref[...], axis=1, keepdims=True)
             + gb_ref[...])
    gate = jax.nn.sigmoid(logit)
    out_ref[...] = jnp.tanh(se + gate * agg)


def _senc(x, w1, b1, w2, b2, g, b):
    h = jnp.maximum(jnp.dot(x, w1, preferred_element_type=jnp.float32) + b1, 0.0)
    z = jnp.dot(h, w2, preferred_element_type=jnp.float32) + b2 + x
    mu = jnp.mean(z, axis=-1, keepdims=True)
    zc = z - mu
    var = jnp.sum(zc * zc, axis=-1, keepdims=True) / (z.shape[-1] - 1)
    sd = jnp.sqrt(var)
    return zc / (sd + 1e-3) * g + b


def _sup_body(l_ref, r_ref, w1_ref, b1_ref, w2_ref, b2_ref, g_ref, bl_ref,
              out_ref):
    x = jnp.concatenate([l_ref[...], r_ref[...]], axis=1)
    y = _senc(x, w1_ref[...], b1_ref[...], w2_ref[...], b2_ref[...],
              g_ref[...], bl_ref[...])
    m = jnp.mean(y, axis=0, keepdims=True)
    out_ref[...] = jnp.broadcast_to(m, out_ref.shape)


def _q_body(l_ref, r_ref, sup_ref, w1_ref, b1_ref, w2_ref, b2_ref, g_ref,
            bl_ref, wih_ref, bsum_ref, whhh_ref, whhr_ref, out_ref):
    x = jnp.concatenate([l_ref[...], r_ref[...]], axis=1)
    dm = x.shape[1]
    qry = _senc(x, w1_ref[...], b1_ref[...], w2_ref[...], b2_ref[...],
                g_ref[...], bl_ref[...])
    sup = sup_ref[0:1, :]
    base = jnp.dot(qry, wih_ref[...], preferred_element_type=jnp.float32) \
        + bsum_ref[...]
    sup_t = jnp.dot(sup, whhr_ref[...], preferred_element_type=jnp.float32)
    hid = base.shape[1] // 4

    def split(gs):
        return (gs[:, :hid], gs[:, hid:2 * hid], gs[:, 2 * hid:3 * hid],
                gs[:, 3 * hid:])

    i_, f_, g_, o_ = split(base)
    c = jax.nn.sigmoid(i_) * jnp.tanh(g_)
    h = qry + (jax.nn.sigmoid(o_) * jnp.tanh(c))[:, :dm]
    for _ in range(3):
        gs = base + sup_t + jnp.dot(h, whhh_ref[...],
                                    preferred_element_type=jnp.float32)
        i_, f_, g_, o_ = split(gs)
        c = jax.nn.sigmoid(f_) * c + jax.nn.sigmoid(i_) * jnp.tanh(g_)
        h = qry + (jax.nn.sigmoid(o_) * jnp.tanh(c))[:, :dm]
    out_ref[...] = jnp.sum(h * sup, axis=1, keepdims=True)



def kernel(query, support, q_l1, q_deg_l, q_r1, q_deg_r, s_l1, s_deg_l,
           s_r1, s_deg_r, symbol_emb, proj_w_W, proj_w_b, proj_b, gate_w_W,
           gate_w_b, gate_b, se_W1, se_b1, se_W2, se_b2, ln_g, ln_b,
           lstm_Wih, lstm_Whh, lstm_bih, lstm_bhh):
    b = query.shape[0]
    few = support.shape[0]
    maxn = q_l1.shape[1]
    d = symbol_emb.shape[1]
    pad = symbol_emb.shape[0] - 1
    rows = 2 * b + 2 * few

    rel_ids = jnp.concatenate([
        q_l1[:, :, 0].reshape(-1), q_r1[:, :, 0].reshape(-1),
        s_l1[:, :, 0].reshape(-1), s_r1[:, :, 0].reshape(-1)]).astype(jnp.int32)
    ent_ids = jnp.concatenate([
        q_l1[:, :, 1].reshape(-1), q_r1[:, :, 1].reshape(-1),
        s_l1[:, :, 1].reshape(-1), s_r1[:, :, 1].reshape(-1)]).astype(jnp.int32)
    sgran = _NW * _CS
    ns = ((rows + sgran - 1) // sgran) * sgran
    self_ids = jnp.concatenate([
        query[:, 0], query[:, 1], support[:, 0], support[:, 1],
        jnp.zeros((ns - rows,), query.dtype)]).astype(jnp.int32)

    prod, selfs = _sc_gather_prod(symbol_emb, rel_ids, ent_ids, self_ids)
    prod3 = prod.reshape(rows, maxn, d)
    rels = jnp.concatenate(
        [q_l1[:, :, 0], q_r1[:, :, 0], s_l1[:, :, 0], s_r1[:, :, 0]],
        axis=0).astype(jnp.int32)

    pwT = proj_w_W.T
    pb = (proj_w_b + proj_b).reshape(1, d)
    gwl = gate_w_W[:, :d]
    gwr = gate_w_W[:, d:]
    gb = (gate_w_b + gate_b).reshape(1, 1)

    t1 = 128
    nbr_out = pl.pallas_call(
        functools.partial(_nbr_body, pad),
        grid=(rows // t1,),
        in_specs=[
            pl.BlockSpec((t1, maxn, d), lambda i: (i, 0, 0)),
            pl.BlockSpec((t1, maxn), lambda i: (i, 0)),
            pl.BlockSpec((t1, d), lambda i: (i, 0)),
            pl.BlockSpec((d, d), lambda i: (0, 0)),
            pl.BlockSpec((1, d), lambda i: (0, 0)),
            pl.BlockSpec((1, d), lambda i: (0, 0)),
            pl.BlockSpec((1, d), lambda i: (0, 0)),
            pl.BlockSpec((1, 1), lambda i: (0, 0)),
        ],
        out_specs=pl.BlockSpec((t1, d), lambda i: (i, 0)),
        out_shape=jax.ShapeDtypeStruct((rows, d), jnp.float32),
    )(prod3, rels, selfs[:rows], pwT, pb, gwl, gwr, gb)

    dm = 2 * d
    w1T = se_W1.T
    b1 = se_b1.reshape(1, -1)
    w2T = se_W2.T
    b2 = se_b2.reshape(1, -1)
    lng = ln_g.reshape(1, -1)
    lnb = ln_b.reshape(1, -1)

    sbase = (2 * b) // few
    sup = pl.pallas_call(
        _sup_body,
        grid=(1,),
        in_specs=[
            pl.BlockSpec((few, d), lambda i: (sbase, 0)),
            pl.BlockSpec((few, d), lambda i: (sbase + 1, 0)),
            pl.BlockSpec(w1T.shape, lambda i: (0, 0)),
            pl.BlockSpec(b1.shape, lambda i: (0, 0)),
            pl.BlockSpec(w2T.shape, lambda i: (0, 0)),
            pl.BlockSpec(b2.shape, lambda i: (0, 0)),
            pl.BlockSpec(lng.shape, lambda i: (0, 0)),
            pl.BlockSpec(lnb.shape, lambda i: (0, 0)),
        ],
        out_specs=pl.BlockSpec((8, dm), lambda i: (0, 0)),
        out_shape=jax.ShapeDtypeStruct((8, dm), jnp.float32),
    )(nbr_out, nbr_out, w1T, b1, w2T, b2, lng, lnb)

    wihT = lstm_Wih.T
    bsum = (lstm_bih + lstm_bhh).reshape(1, -1)
    whhhT = lstm_Whh[:, :dm].T
    whhrT = lstm_Whh[:, dm:].T

    t2 = 256
    nblk = b // t2
    scores = pl.pallas_call(
        _q_body,
        grid=(nblk,),
        in_specs=[
            pl.BlockSpec((t2, d), lambda i: (i, 0)),
            pl.BlockSpec((t2, d), lambda i: (i + nblk, 0)),
            pl.BlockSpec((8, dm), lambda i: (0, 0)),
            pl.BlockSpec(w1T.shape, lambda i: (0, 0)),
            pl.BlockSpec(b1.shape, lambda i: (0, 0)),
            pl.BlockSpec(w2T.shape, lambda i: (0, 0)),
            pl.BlockSpec(b2.shape, lambda i: (0, 0)),
            pl.BlockSpec(lng.shape, lambda i: (0, 0)),
            pl.BlockSpec(lnb.shape, lambda i: (0, 0)),
            pl.BlockSpec(wihT.shape, lambda i: (0, 0)),
            pl.BlockSpec(bsum.shape, lambda i: (0, 0)),
            pl.BlockSpec(whhhT.shape, lambda i: (0, 0)),
            pl.BlockSpec(whhrT.shape, lambda i: (0, 0)),
        ],
        out_specs=pl.BlockSpec((t2, 1), lambda i: (i, 0)),
        out_shape=jax.ShapeDtypeStruct((b, 1), jnp.float32),
    )(nbr_out, nbr_out, sup, w1T, b1, w2T, b2, lng, lnb, wihT, bsum,
      whhhT, whhrT)

    return scores[:, 0]

# --- scband reference (transcript-rebuilt; emitter-appended) ---
"""Pipeline reference for scband-embed-matcher-60610578482011 (READ-ONLY COPY).

The authoritative reference and input builder live on the scoring server;
editing this copy changes nothing except your own understanding.
"""

import jax, jax.numpy as jnp
import numpy as np

EMBED_DIM = 128
NUM_SYMBOLS = 100000
PAD_IDX = NUM_SYMBOLS
D_MODEL = 2 * EMBED_DIM
D_INNER = 2 * D_MODEL
HID = 2 * D_MODEL
PROCESS_STEPS = 4
B = 4096
FEW = 64
MAXN = 64


def setup_inputs(seed: int = 0):
    key = jax.random.key(seed)
    ks = jax.random.split(key, 32)

    def xavier(k, shape):
        std = float(np.sqrt(2.0 / (shape[0] + shape[1])))
        return (jax.random.normal(k, shape) * std).astype(jnp.float32)

    emb = (jax.random.normal(ks[10], (NUM_SYMBOLS + 1, EMBED_DIM)) * 0.02).astype(jnp.float32)
    emb = emb.at[PAD_IDX].set(0.0)
    inp = {
        "query": jax.random.randint(ks[0], (B, 2), 0, NUM_SYMBOLS),
        "support": jax.random.randint(ks[1], (FEW, 2), 0, NUM_SYMBOLS),
        "q_l1": jax.random.randint(ks[2], (B, MAXN, 2), 0, NUM_SYMBOLS + 1),
        "q_deg_l": jnp.ones((B, 1), jnp.float32),
        "q_r1": jax.random.randint(ks[3], (B, MAXN, 2), 0, NUM_SYMBOLS + 1),
        "q_deg_r": jnp.ones((B, 1), jnp.float32),
        "s_l1": jax.random.randint(ks[4], (FEW, MAXN, 2), 0, NUM_SYMBOLS + 1),
        "s_deg_l": jnp.ones((FEW, 1), jnp.float32),
        "s_r1": jax.random.randint(ks[5], (FEW, MAXN, 2), 0, NUM_SYMBOLS + 1),
        "s_deg_r": jnp.ones((FEW, 1), jnp.float32),
        "symbol_emb": emb,
        "proj_w_W": xavier(ks[11], (EMBED_DIM, EMBED_DIM)),
        "proj_w_b": jnp.zeros((EMBED_DIM,), jnp.float32),
        "proj_b": jnp.zeros((EMBED_DIM,), jnp.float32),
        "gate_w_W": xavier(ks[12], (1, 2 * EMBED_DIM)),
        "gate_w_b": jnp.zeros((1,), jnp.float32),
        "gate_b": jnp.zeros((1,), jnp.float32),
        "se_W1": xavier(ks[13], (D_INNER, D_MODEL)),
        "se_b1": jnp.zeros((D_INNER,), jnp.float32),
        "se_W2": xavier(ks[14], (D_MODEL, D_INNER)),
        "se_b2": jnp.zeros((D_MODEL,), jnp.float32),
        "ln_g": jnp.ones((D_MODEL,), jnp.float32),
        "ln_b": jnp.zeros((D_MODEL,), jnp.float32),
        "lstm_Wih": xavier(ks[15], (4 * HID, D_MODEL)),
        "lstm_Whh": xavier(ks[16], (4 * HID, HID)),
        "lstm_bih": jnp.zeros((4 * HID,), jnp.float32),
        "lstm_bhh": jnp.zeros((4 * HID,), jnp.float32),
    }
    return inp


def reference(query, support, q_l1, q_deg_l, q_r1, q_deg_r, s_l1, s_deg_l, s_r1, s_deg_r, symbol_emb, proj_w_W, proj_w_b, proj_b, gate_w_W, gate_w_b, gate_b, se_W1, se_b1, se_W2, se_b2, ln_g, ln_b, lstm_Wih, lstm_Whh, lstm_bih, lstm_bhh):

    def nbr(conn, self_ids):
        rel = conn[:, :, 0]
        ent = conn[:, :, 1]
        rel_e = jnp.take(symbol_emb, rel, axis=0)
        ent_e = jnp.take(symbol_emb, ent, axis=0)
        self_e = jnp.take(symbol_emb, self_ids, axis=0)
        nv = rel_e * ent_e
        nv = nv @ proj_w_W.T + proj_w_b + proj_b
        nv = jnp.where(nv >= 0, nv, 0.01 * nv)
        mask = (rel != PAD_IDX).astype(jnp.float32)[..., None]
        nv = nv * mask
        cnt = jnp.sum(mask, axis=1)
        agg = jnp.sum(nv, axis=1) / (cnt + 1e-09)
        gate_in = jnp.concatenate([self_e, agg], axis=-1)
        gate = jax.nn.sigmoid(gate_in @ gate_w_W.T + gate_w_b + gate_b)
        return jnp.tanh(self_e + gate * agg)

    def senc(x):
        res = x
        out = jax.nn.relu(x @ se_W1.T + se_b1)
        out = out @ se_W2.T + se_b2
        z = out + res
        mu = jnp.mean(z, axis=-1, keepdims=True)
        sd = jnp.std(z, axis=-1, keepdims=True, ddof=1)
        return (z - mu) / (sd + 1e-3) * ln_g + ln_b

    def qenc(sup, qry):
        bs = qry.shape[0]
        h_r = jnp.zeros((bs, HID), jnp.float32)
        c = jnp.zeros((bs, HID), jnp.float32)
        h = qry
        for _ in range(PROCESS_STEPS):
            gates = qry @ lstm_Wih.T + lstm_bih + h_r @ lstm_Whh.T + lstm_bhh
            i, f, g, o = jnp.split(gates, 4, axis=-1)
            c = jax.nn.sigmoid(f) * c + jax.nn.sigmoid(i) * jnp.tanh(g)
            hh = jax.nn.sigmoid(o) * jnp.tanh(c)
            h = qry + hh[:, :D_MODEL]
            attn = jax.nn.softmax(h @ sup.T, axis=1)
            r = attn @ sup
            h_r = jnp.concatenate([h, r], axis=1)
        return h

    q_left = nbr(q_l1, query[:, 0])
    q_right = nbr(q_r1, query[:, 1])
    query_vec = jnp.concatenate([q_left, q_right], axis=-1)
    s_left = nbr(s_l1, support[:, 0])
    s_right = nbr(s_r1, support[:, 1])
    support_vec = jnp.concatenate([s_left, s_right], axis=-1)
    support_g = senc(support_vec[:, None, :])
    query_enc = senc(query_vec[:, None, :])
    support_g = jnp.mean(support_g, axis=0, keepdims=True)[:, 0, :]
    query_enc = query_enc[:, 0, :]
    query_g = qenc(support_g, query_enc)
    scores = jnp.sum(query_g * support_g, axis=1)
    return scores

if __name__ == "__main__":
    import jax
    _d = setup_inputs()
    print(jax.jit(kernel)(*tuple(_d.values())))

</pallas_src>

<mosaic_0001>
#map = affine_map<(d0, d1) -> (0, 0)>
#map1 = affine_map<(d0, d1) -> (0)>
module attributes {stable_mosaic.version = 14 : i64} {
  func.func @_sc_body(%arg0: i32, %arg1: i32, %arg2: memref<100001x128xf32, #tpu.memory_space<hbm>>, %arg3: memref<532480xi32, #tpu.memory_space<hbm>>, %arg4: memref<532480xi32, #tpu.memory_space<hbm>>, %arg5: memref<8448xi32, #tpu.memory_space<hbm>>, %arg6: memref<532480x128xf32, #tpu.memory_space<hbm>>, %arg7: memref<8448x128xf32, #tpu.memory_space<hbm>>, %arg8: memref<128xi32, #tpu.memory_space<vmem>>, %arg9: memref<128xi32, #tpu.memory_space<vmem>>, %arg10: memref<128x128xf32, #tpu.memory_space<vmem>>, %arg11: memref<128x128xf32, #tpu.memory_space<vmem>>, %arg12: memref<88xi32, #tpu.memory_space<vmem>>, %arg13: memref<88x128xf32, #tpu.memory_space<vmem>>, %arg14: memref<!tpu.dma_semaphore, #tpu.memory_space<semaphore_mem>>, %arg15: memref<!tpu.dma_semaphore, #tpu.memory_space<semaphore_mem>>) attributes {dimension_semantics = [#tpu.dimension_semantics<core_parallel>, #tpu.dimension_semantics<subcore_parallel>], iteration_bounds = array<i64: 2, 16>, scalar_prefetch = 0 : i64, scratch_operands = 8 : i64, tpu.core_type = #tpu.core_type<sc_vector_subcore>, window_params = [{transform_indices = #map}, {transform_indices = #map1}, {transform_indices = #map1}, {transform_indices = #map1}, {transform_indices = #map}, {transform_indices = #map}]} {
    %mul3A = arith.constant 2 : i32
    %mul3A_0 = arith.muli %arg1, %mul3A : i32
    %add3A = arith.addi %mul3A_0, %arg0 : i32
    %mul3A_1 = arith.constant 16640 : i32
    %mul3A_2 = arith.muli %add3A, %mul3A_1 : i32
    %scan3A = arith.constant 0 : i32
    %scan3A_3 = arith.constant 0 : i32
    %scan3A_4 = arith.constant 130 : i32
    %scan3A_5 = arith.addi %scan3A_3, %scan3A_4 : i32
    %scan3A_6 = arith.constant 1 : i32
    scf.for %scan3A_16 = %scan3A_3 to %scan3A_5 step %scan3A_6  : i32 {
      %mul3A_17 = arith.constant 128 : i32
      %mul3A_18 = arith.muli %scan3A_16, %mul3A_17 : i32
      %add3A_19 = arith.addi %mul3A_2, %mul3A_18 : i32
      "tpu.region"() ({
        %run_scoped3A = tpu.sem_alloc : memref<!tpu.dma_semaphore, #tpu.memory_space<semaphore_mem>>
        %dma_start3A_36 = tpu.memref_slice %arg3[%add3A_19] : memref<532480xi32, #tpu.memory_space<hbm>> -> memref<128xi32, #tpu.memory_space<hbm>>
        %dma_start3A_37 = tpu.memref_slice %arg3[%add3A_19] : memref<532480xi32, #tpu.memory_space<hbm>> -> memref<128xi32, #tpu.memory_space<hbm>>
        tpu.enqueue_dma source(%dma_start3A_37 : memref<128xi32, #tpu.memory_space<hbm>>) target(%arg8 : memref<128xi32, #tpu.memory_space<vmem>>) target_semaphore(%run_scoped3A : memref<!tpu.dma_semaphore, #tpu.memory_space<semaphore_mem>>)
        %dma_wait3A_38 = tpu.memref_slice %arg3[%add3A_19] : memref<532480xi32, #tpu.memory_space<hbm>> -> memref<128xi32, #tpu.memory_space<hbm>>
        %dma_wait3A_39 = tpu.memref_slice %arg3[%add3A_19] : memref<532480xi32, #tpu.memory_space<hbm>> -> memref<128xi32, #tpu.memory_space<hbm>>
        tpu.wait_dma2 semaphore(%run_scoped3A : memref<!tpu.dma_semaphore, #tpu.memory_space<semaphore_mem>>) src(%dma_wait3A_39 : memref<128xi32, #tpu.memory_space<hbm>>) dst(%arg8 : memref<128xi32, #tpu.memory_space<vmem>>)
        tpu.yield
      }) : () -> ()
      "tpu.region"() ({
        %run_scoped3A = tpu.sem_alloc : memref<!tpu.dma_semaphore, #tpu.memory_space<semaphore_mem>>
        %dma_start3A_36 = tpu.memref_slice %arg4[%add3A_19] : memref<532480xi32, #tpu.memory_space<hbm>> -> memref<128xi32, #tpu.memory_space<hbm>>
        %dma_start3A_37 = tpu.memref_slice %arg4[%add3A_19] : memref<532480xi32, #tpu.memory_space<hbm>> -> memref<128xi32, #tpu.memory_space<hbm>>
        tpu.enqueue_dma source(%dma_start3A_37 : memref<128xi32, #tpu.memory_space<hbm>>) target(%arg9 : memref<128xi32, #tpu.memory_space<vmem>>) target_semaphore(%run_scoped3A : memref<!tpu.dma_semaphore, #tpu.memory_space<semaphore_mem>>)
        %dma_wait3A_38 = tpu.memref_slice %arg4[%add3A_19] : memref<532480xi32, #tpu.memory_space<hbm>> -> memref<128xi32, #tpu.memory_space<hbm>>
        %dma_wait3A_39 = tpu.memref_slice %arg4[%add3A_19] : memref<532480xi32, #tpu.memory_space<hbm>> -> memref<128xi32, #tpu.memory_space<hbm>>
        tpu.wait_dma2 semaphore(%run_scoped3A : memref<!tpu.dma_semaphore, #tpu.memory_space<semaphore_mem>>) src(%dma_wait3A_39 : memref<128xi32, #tpu.memory_space<hbm>>) dst(%arg9 : memref<128xi32, #tpu.memory_space<vmem>>)
        tpu.yield
      }) : () -> ()
      %dma_start3A = arith.constant 0 : i32
      %dma_start3A_20 = arith.constant 0 : i32
      %dma_start3A_21 = tpu.memref_slice %arg2[%dma_start3A, %dma_start3A_20] : memref<100001x128xf32, #tpu.memory_space<hbm>> -> memref<100001x128xf32, #tpu.memory_space<hbm>>
      tpu.enqueue_indirect_dma source(%dma_start3A_21 : memref<100001x128xf32, #tpu.memory_space<hbm>>) target(%arg10 : memref<128x128xf32, #tpu.memory_space<vmem>>) offsets(%arg8 : memref<128xi32, #tpu.memory_space<vmem>>) semaphore(%arg14 : memref<!tpu.dma_semaphore, #tpu.memory_space<semaphore_mem>>)
      %dma_start3A_22 = arith.constant 0 : i32
      %dma_start3A_23 = arith.constant 0 : i32
      %dma_start3A_24 = tpu.memref_slice %arg2[%dma_start3A_22, %dma_start3A_23] : memref<100001x128xf32, #tpu.memory_space<hbm>> -> memref<100001x128xf32, #tpu.memory_space<hbm>>
      tpu.enqueue_indirect_dma source(%dma_start3A_24 : memref<100001x128xf32, #tpu.memory_space<hbm>>) target(%arg11 : memref<128x128xf32, #tpu.memory_space<vmem>>) offsets(%arg9 : memref<128xi32, #tpu.memory_space<vmem>>) semaphore(%arg15 : memref<!tpu.dma_semaphore, #tpu.memory_space<semaphore_mem>>)
      %dma_wait3A = arith.constant 0 : i32
      %dma_wait3A_25 = arith.constant 0 : i32
      %dma_wait3A_26 = tpu.memref_slice %arg2[%dma_wait3A, %dma_wait3A_25] : memref<100001x128xf32, #tpu.memory_space<hbm>> -> memref<100001x128xf32, #tpu.memory_space<hbm>>
      tpu.wait_indirect_dma semaphore(%arg14 : memref<!tpu.dma_semaphore, #tpu.memory_space<semaphore_mem>>) src(%dma_wait3A_26 : memref<100001x128xf32, #tpu.memory_space<hbm>>) dst(%arg10 : memref<128x128xf32, #tpu.memory_space<vmem>>)
      %dma_wait3A_27 = arith.constant 0 : i32
      %dma_wait3A_28 = arith.constant 0 : i32
      %dma_wait3A_29 = tpu.memref_slice %arg2[%dma_wait3A_27, %dma_wait3A_28] : memref<100001x128xf32, #tpu.memory_space<hbm>> -> memref<100001x128xf32, #tpu.memory_space<hbm>>
      tpu.wait_indirect_dma semaphore(%arg15 : memref<!tpu.dma_semaphore, #tpu.memory_space<semaphore_mem>>) src(%dma_wait3A_29 : memref<100001x128xf32, #tpu.memory_space<hbm>>) dst(%arg11 : memref<128x128xf32, #tpu.memory_space<vmem>>)
      %scan3A_30 = arith.constant 0 : i32
      %scan3A_31 = arith.constant 0 : i32
      %scan3A_32 = arith.constant 128 : i32
      %scan3A_33 = arith.addi %scan3A_31, %scan3A_32 : i32
      %scan3A_34 = arith.constant 1 : i32
      scf.for %scan3A_36 = %scan3A_31 to %scan3A_33 step %scan3A_34  : i32 {
        %get3A = arith.index_cast %scan3A_36 : i32 to index
        %get3A_37 = arith.constant 0 : index
        %get3A_38 = tpu.vector_load %arg10[%get3A, %get3A_37] {strides = array<i32>} : memref<128x128xf32, #tpu.memory_space<vmem>>, vector<1x16xf32>,
        %get3A_39 = vector.shape_cast %get3A_38 : vector<1x16xf32> to vector<16xf32>
        %get3A_40 = arith.index_cast %scan3A_36 : i32 to index
        %get3A_41 = arith.constant 0 : index
        %get3A_42 = tpu.vector_load %arg11[%get3A_40, %get3A_41] {strides = array<i32>} : memref<128x128xf32, #tpu.memory_space<vmem>>, vector<1x16xf32>,
        %get3A_43 = vector.shape_cast %get3A_42 : vector<1x16xf32> to vector<16xf32>
        %mul3A_44 = arith.mulf %get3A_39, %get3A_43 : vector<16xf32>
        %swap3A = arith.index_cast %scan3A_36 : i32 to index
        %swap3A_45 = arith.constant 0 : index
        %swap3A_46 = tpu.vector_load %arg10[%swap3A, %swap3A_45] {strides = array<i32>} : memref<128x128xf32, #tpu.memory_space<vmem>>, vector<1x16xf32>,
        %swap3A_47 = vector.shape_cast %swap3A_46 : vector<1x16xf32> to vector<16xf32>
        %swap3A_48 = vector.shape_cast %mul3A_44 : vector<16xf32> to vector<1x16xf32>
        tpu.vector_store %arg10[%swap3A, %swap3A_45], %swap3A_48 {strides = array<i32>} : memref<128x128xf32, #tpu.memory_space<vmem>>, vector<1x16xf32>,
        %get3A_49 = arith.index_cast %scan3A_36 : i32 to index
        %get3A_50 = arith.constant 16 : index
        %get3A_51 = tpu.vector_load %arg10[%get3A_49, %get3A_50] {strides = array<i32>} : memref<128x128xf32, #tpu.memory_space<vmem>>, vector<1x16xf32>,
        %get3A_52 = vector.shape_cast %get3A_51 : vector<1x16xf32> to vector<16xf32>
        %get3A_53 = arith.index_cast %scan3A_36 : i32 to index
        %get3A_54 = arith.constant 16 : index
        %get3A_55 = tpu.vector_load %arg11[%get3A_53, %get3A_54] {strides = array<i32>} : memref<128x128xf32, #tpu.memory_space<vmem>>, vector<1x16xf32>,
        %get3A_56 = vector.shape_cast %get3A_55 : vector<1x16xf32> to vector<16xf32>
        %mul3A_57 = arith.mulf %get3A_52, %get3A_56 : vector<16xf32>
        %swap3A_58 = arith.index_cast %scan3A_36 : i32 to index
        %swap3A_59 = arith.constant 16 : index
        %swap3A_60 = tpu.vector_load %arg10[%swap3A_58, %swap3A_59] {strides = array<i32>} : memref<128x128xf32, #tpu.memory_space<vmem>>, vector<1x16xf32>,
        %swap3A_61 = vector.shape_cast %swap3A_60 : vector<1x16xf32> to vector<16xf32>
        %swap3A_62 = vector.shape_cast %mul3A_57 : vector<16xf32> to vector<1x16xf32>
        tpu.vector_store %arg10[%swap3A_58, %swap3A_59], %swap3A_62 {strides = array<i32>} : memref<128x128xf32, #tpu.memory_space<vmem>>, vector<1x16xf32>,
        %get3A_63 = arith.index_cast %scan3A_36 : i32 to index
        %get3A_64 = arith.constant 32 : index
        %get3A_65 = tpu.vector_load %arg10[%get3A_63, %get3A_64] {strides = array<i32>} : memref<128x128xf32, #tpu.memory_space<vmem>>, vector<1x16xf32>,
        %get3A_66 = vector.shape_cast %get3A_65 : vector<1x16xf32> to vector<16xf32>
        %get3A_67 = arith.index_cast %scan3A_36 : i32 to index
        %get3A_68 = arith.constant 32 : index
        %get3A_69 = tpu.vector_load %arg11[%get3A_67, %get3A_68] {strides = array<i32>} : memref<128x128xf32, #tpu.memory_space<vmem>>, vector<1x16xf32>,
        %get3A_70 = vector.shape_cast %get3A_69 : vector<1x16xf32> to vector<16xf32>
        %mul3A_71 = arith.mulf %get3A_66, %get3A_70 : vector<16xf32>
        %swap3A_72 = arith.index_cast %scan3A_36 : i32 to index
        %swap3A_73 = arith.constant 32 : index
        %swap3A_74 = tpu.vector_load %arg10[%swap3A_72, %swap3A_73] {strides = array<i32>} : memref<128x128xf32, #tpu.memory_space<vmem>>, vector<1x16xf32>,
        %swap3A_75 = vector.shape_cast %swap3A_74 : vector<1x16xf32> to vector<16xf32>
        %swap3A_76 = vector.shape_cast %mul3A_71 : vector<16xf32> to vector<1x16xf32>
        tpu.vector_store %arg10[%swap3A_72, %swap3A_73], %swap3A_76 {strides = array<i32>} : memref<128x128xf32, #tpu.memory_space<vmem>>, vector<1x16xf32>,
        %get3A_77 = arith.index_cast %scan3A_36 : i32 to index
        %get3A_78 = arith.constant 48 : index
        %get3A_79 = tpu.vector_load %arg10[%get3A_77, %get3A_78] {strides = array<i32>} : memref<128x128xf32, #tpu.memory_space<vmem>>, vector<1x16xf32>,
        %get3A_80 = vector.shape_cast %get3A_79 : vector<1x16xf32> to vector<16xf32>
        %get3A_81 = arith.index_cast %scan3A_36 : i32 to index
        %get3A_82 = arith.constant 48 : index
        %get3A_83 = tpu.vector_load %arg11[%get3A_81, %get3A_82] {strides = array<i32>} : memref<128x128xf32, #tpu.memory_space<vmem>>, vector<1x16xf32>,
        %get3A_84 = vector.shape_cast %get3A_83 : vector<1x16xf32> to vector<16xf32>
        %mul3A_85 = arith.mulf %get3A_80, %get3A_84 : vector<16xf32>
        %swap3A_86 = arith.index_cast %scan3A_36 : i32 to index
        %swap3A_87 = arith.constant 48 : index
        %swap3A_88 = tpu.vector_load %arg10[%swap3A_86, %swap3A_87] {strides = array<i32>} : memref<128x128xf32, #tpu.memory_space<vmem>>, vector<1x16xf32>,
        %swap3A_89 = vector.shape_cast %swap3A_88 : vector<1x16xf32> to vector<16xf32>
        %swap3A_90 = vector.shape_cast %mul3A_85 : vector<16xf32> to vector<1x16xf32>
        tpu.vector_store %arg10[%swap3A_86, %swap3A_87], %swap3A_90 {strides = array<i32>} : memref<128x128xf32, #tpu.memory_space<vmem>>, vector<1x16xf32>,
        %get3A_91 = arith.index_cast %scan3A_36 : i32 to index
        %get3A_92 = arith.constant 64 : index
        %get3A_93 = tpu.vector_load %arg10[%get3A_91, %get3A_92] {strides = array<i32>} : memref<128x128xf32, #tpu.memory_space<vmem>>, vector<1x16xf32>,
        %get3A_94 = vector.shape_cast %get3A_93 : vector<1x16xf32> to vector<16xf32>
        %get3A_95 = arith.index_cast %scan3A_36 : i32 to index
        %get3A_96 = arith.constant 64 : index
        %get3A_97 = tpu.vector_load %arg11[%get3A_95, %get3A_96] {strides = array<i32>} : memref<128x128xf32, #tpu.memory_space<vmem>>, vector<1x16xf32>,
        %get3A_98 = vector.shape_cast %get3A_97 : vector<1x16xf32> to vector<16xf32>
        %mul3A_99 = arith.mulf %get3A_94, %get3A_98 : vector<16xf32>
        %swap3A_100 = arith.index_cast %scan3A_36 : i32 to index
        %swap3A_101 = arith.constant 64 : index
        %swap3A_102 = tpu.vector_load %arg10[%swap3A_100, %swap3A_101] {strides = array<i32>} : memref<128x128xf32, #tpu.memory_space<vmem>>, vector<1x16xf32>,
        %swap3A_103 = vector.shape_cast %swap3A_102 : vector<1x16xf32> to vector<16xf32>
        %swap3A_104 = vector.shape_cast %mul3A_99 : vector<16xf32> to vector<1x16xf32>
        tpu.vector_store %arg10[%swap3A_100, %swap3A_101], %swap3A_104 {strides = array<i32>} : memref<128x128xf32, #tpu.memory_space<vmem>>, vector<1x16xf32>,
        %get3A_105 = arith.index_cast %scan3A_36 : i32 to index
        %get3A_106 = arith.constant 80 : index
        %get3A_107 = tpu.vector_load %arg10[%get3A_105, %get3A_106] {strides = array<i32>} : memref<128x128xf32, #tpu.memory_space<vmem>>, vector<1x16xf32>,
        %get3A_108 = vector.shape_cast %get3A_107 : vector<1x16xf32> to vector<16xf32>
        %get3A_109 = arith.index_cast %scan3A_36 : i32 to index
        %get3A_110 = arith.constant 80 : index
        %get3A_111 = tpu.vector_load %arg11[%get3A_109, %get3A_110] {strides = array<i32>} : memref<128x128xf32, #tpu.memory_space<vmem>>, vector<1x16xf32>,
        %get3A_112 = vector.shape_cast %get3A_111 : vector<1x16xf32> to vector<16xf32>
        %mul3A_113 = arith.mulf %get3A_108, %get3A_112 : vector<16xf32>
        %swap3A_114 = arith.index_cast %scan3A_36 : i32 to index
        %swap3A_115 = arith.constant 80 : index
        %swap3A_116 = tpu.vector_load %arg10[%swap3A_114, %swap3A_115] {strides = array<i32>} : memref<128x128xf32, #tpu.memory_space<vmem>>, vector<1x16xf32>,
        %swap3A_117 = vector.shape_cast %swap3A_116 : vector<1x16xf32> to vector<16xf32>
        %swap3A_118 = vector.shape_cast %mul3A_113 : vector<16xf32> to vector<1x16xf32>
        tpu.vector_store %arg10[%swap3A_114, %swap3A_115], %swap3A_118 {strides = array<i32>} : memref<128x128xf32, #tpu.memory_space<vmem>>, vector<1x16xf32>,
        %get3A_119 = arith.index_cast %scan3A_36 : i32 to index
        %get3A_120 = arith.constant 96 : index
        %get3A_121 = tpu.vector_load %arg10[%get3A_119, %get3A_120] {strides = array<i32>} : memref<128x128xf32, #tpu.memory_space<vmem>>, vector<1x16xf32>,
        %get3A_122 = vector.shape_cast %get3A_121 : vector<1x16xf32> to vector<16xf32>
        %get3A_123 = arith.index_cast %scan3A_36 : i32 to index
        %get3A_124 = arith.constant 96 : index
        %get3A_125 = tpu.vector_load %arg11[%get3A_123, %get3A_124] {strides = array<i32>} : memref<128x128xf32, #tpu.memory_space<vmem>>, vector<1x16xf32>,
        %get3A_126 = vector.shape_cast %get3A_125 : vector<1x16xf32> to vector<16xf32>
        %mul3A_127 = arith.mulf %get3A_122, %get3A_126 : vector<16xf32>
        %swap3A_128 = arith.index_cast %scan3A_36 : i32 to index
        %swap3A_129 = arith.constant 96 : index
        %swap3A_130 = tpu.vector_load %arg10[%swap3A_128, %swap3A_129] {strides = array<i32>} : memref<128x128xf32, #tpu.memory_space<vmem>>, vector<1x16xf32>,
        %swap3A_131 = vector.shape_cast %swap3A_130 : vector<1x16xf32> to vector<16xf32>
        %swap3A_132 = vector.shape_cast %mul3A_127 : vector<16xf32> to vector<1x16xf32>
        tpu.vector_store %arg10[%swap3A_128, %swap3A_129], %swap3A_132 {strides = array<i32>} : memref<128x128xf32, #tpu.memory_space<vmem>>, vector<1x16xf32>,
        %get3A_133 = arith.index_cast %scan3A_36 : i32 to index
        %get3A_134 = arith.constant 112 : index
        %get3A_135 = tpu.vector_load %arg10[%get3A_133, %get3A_134] {strides = array<i32>} : memref<128x128xf32, #tpu.memory_space<vmem>>, vector<1x16xf32>,
        %get3A_136 = vector.shape_cast %get3A_135 : vector<1x16xf32> to vector<16xf32>
        %get3A_137 = arith.index_cast %scan3A_36 : i32 to index
        %get3A_138 = arith.constant 112 : index
        %get3A_139 = tpu.vector_load %arg11[%get3A_137, %get3A_138] {strides = array<i32>} : memref<128x128xf32, #tpu.memory_space<vmem>>, vector<1x16xf32>,
        %get3A_140 = vector.shape_cast %get3A_139 : vector<1x16xf32> to vector<16xf32>
        %mul3A_141 = arith.mulf %get3A_136, %get3A_140 : vector<16xf32>
        %swap3A_142 = arith.index_cast %scan3A_36 : i32 to index
        %swap3A_143 = arith.constant 112 : index
        %swap3A_144 = tpu.vector_load %arg10[%swap3A_142, %swap3A_143] {strides = array<i32>} : memref<128x128xf32, #tpu.memory_space<vmem>>, vector<1x16xf32>,
        %swap3A_145 = vector.shape_cast %swap3A_144 : vector<1x16xf32> to vector<16xf32>
        %swap3A_146 = vector.shape_cast %mul3A_141 : vector<16xf32> to vector<1x16xf32>
        tpu.vector_store %arg10[%swap3A_142, %swap3A_143], %swap3A_146 {strides = array<i32>} : memref<128x128xf32, #tpu.memory_space<vmem>>, vector<1x16xf32>,
      }
      %scan3A_35 = arith.constant 128 : i32
      "tpu.region"() ({
        %run_scoped3A = tpu.sem_alloc : memref<!tpu.dma_semaphore, #tpu.memory_space<semaphore_mem>>
        %dma_start3A_36 = arith.constant 0 : i32
        %dma_start3A_37 = tpu.memref_slice %arg6[%add3A_19, %dma_start3A_36] : memref<532480x128xf32, #tpu.memory_space<hbm>> -> memref<128x128xf32, #tpu.memory_space<hbm>>
        %dma_start3A_38 = arith.constant 0 : i32
        %dma_start3A_39 = tpu.memref_slice %arg6[%add3A_19, %dma_start3A_38] : memref<532480x128xf32, #tpu.memory_space<hbm>> -> memref<128x128xf32, #tpu.memory_space<hbm>>
        tpu.enqueue_dma source(%arg10 : memref<128x128xf32, #tpu.memory_space<vmem>>) target(%dma_start3A_39 : memref<128x128xf32, #tpu.memory_space<hbm>>) target_semaphore(%run_scoped3A : memref<!tpu.dma_semaphore, #tpu.memory_space<semaphore_mem>>)
        %dma_wait3A_40 = arith.constant 0 : i32
        %dma_wait3A_41 = tpu.memref_slice %arg6[%add3A_19, %dma_wait3A_40] : memref<532480x128xf32, #tpu.memory_space<hbm>> -> memref<128x128xf32, #tpu.memory_space<hbm>>
        %dma_wait3A_42 = arith.constant 0 : i32
        %dma_wait3A_43 = tpu.memref_slice %arg6[%add3A_19, %dma_wait3A_42] : memref<532480x128xf32, #tpu.memory_space<hbm>> -> memref<128x128xf32, #tpu.memory_space<hbm>>
        tpu.wait_dma2 semaphore(%run_scoped3A : memref<!tpu.dma_semaphore, #tpu.memory_space<semaphore_mem>>) src(%arg10 : memref<128x128xf32, #tpu.memory_space<vmem>>) dst(%dma_wait3A_43 : memref<128x128xf32, #tpu.memory_space<hbm>>)
        tpu.yield
      }) : () -> ()
    }
    %scan3A_7 = arith.constant 130 : i32
    %mul3A_8 = arith.constant 264 : i32
    %mul3A_9 = arith.muli %add3A, %mul3A_8 : i32
    %scan3A_10 = arith.constant 0 : i32
    %scan3A_11 = arith.constant 0 : i32
    %scan3A_12 = arith.constant 3 : i32
    %scan3A_13 = arith.addi %scan3A_11, %scan3A_12 : i32
    %scan3A_14 = arith.constant 1 : i32
    scf.for %scan3A_16 = %scan3A_11 to %scan3A_13 step %scan3A_14  : i32 {
      %mul3A_17 = arith.constant 88 : i32
      %mul3A_18 = arith.muli %scan3A_16, %mul3A_17 : i32
      %add3A_19 = arith.addi %mul3A_9, %mul3A_18 : i32
      "tpu.region"() ({
        %run_scoped3A = tpu.sem_alloc : memref<!tpu.dma_semaphore, #tpu.memory_space<semaphore_mem>>
        %dma_start3A_24 = tpu.memref_slice %arg5[%add3A_19] : memref<8448xi32, #tpu.memory_space<hbm>> -> memref<88xi32, #tpu.memory_space<hbm>>
        %dma_start3A_25 = tpu.memref_slice %arg5[%add3A_19] : memref<8448xi32, #tpu.memory_space<hbm>> -> memref<88xi32, #tpu.memory_space<hbm>>
        tpu.enqueue_dma source(%dma_start3A_25 : memref<88xi32, #tpu.memory_space<hbm>>) target(%arg12 : memref<88xi32, #tpu.memory_space<vmem>>) target_semaphore(%run_scoped3A : memref<!tpu.dma_semaphore, #tpu.memory_space<semaphore_mem>>)
        %dma_wait3A_26 = tpu.memref_slice %arg5[%add3A_19] : memref<8448xi32, #tpu.memory_space<hbm>> -> memref<88xi32, #tpu.memory_space<hbm>>
        %dma_wait3A_27 = tpu.memref_slice %arg5[%add3A_19] : memref<8448xi32, #tpu.memory_space<hbm>> -> memref<88xi32, #tpu.memory_space<hbm>>
        tpu.wait_dma2 semaphore(%run_scoped3A : memref<!tpu.dma_semaphore, #tpu.memory_space<semaphore_mem>>) src(%dma_wait3A_27 : memref<88xi32, #tpu.memory_space<hbm>>) dst(%arg12 : memref<88xi32, #tpu.memory_space<vmem>>)
        tpu.yield
      }) : () -> ()
      %dma_start3A = arith.constant 0 : i32
      %dma_start3A_20 = arith.constant 0 : i32
      %dma_start3A_21 = tpu.memref_slice %arg2[%dma_start3A, %dma_start3A_20] : memref<100001x128xf32, #tpu.memory_space<hbm>> -> memref<100001x128xf32, #tpu.memory_space<hbm>>
      tpu.enqueue_indirect_dma source(%dma_start3A_21 : memref<100001x128xf32, #tpu.memory_space<hbm>>) target(%arg13 : memref<88x128xf32, #tpu.memory_space<vmem>>) offsets(%arg12 : memref<88xi32, #tpu.memory_space<vmem>>) semaphore(%arg14 : memref<!tpu.dma_semaphore, #tpu.memory_space<semaphore_mem>>)
      %dma_wait3A = arith.constant 0 : i32
      %dma_wait3A_22 = arith.constant 0 : i32
      %dma_wait3A_23 = tpu.memref_slice %arg2[%dma_wait3A, %dma_wait3A_22] : memref<100001x128xf32, #tpu.memory_space<hbm>> -> memref<100001x128xf32, #tpu.memory_space<hbm>>
      tpu.wait_indirect_dma semaphore(%arg14 : memref<!tpu.dma_semaphore, #tpu.memory_space<semaphore_mem>>) src(%dma_wait3A_23 : memref<100001x128xf32, #tpu.memory_space<hbm>>) dst(%arg13 : memref<88x128xf32, #tpu.memory_space<vmem>>)
      "tpu.region"() ({
        %run_scoped3A = tpu.sem_alloc : memref<!tpu.dma_semaphore, #tpu.memory_space<semaphore_mem>>
        %dma_start3A_24 = arith.constant 0 : i32
        %dma_start3A_25 = tpu.memref_slice %arg7[%add3A_19, %dma_start3A_24] : memref<8448x128xf32, #tpu.memory_space<hbm>> -> memref<88x128xf32, #tpu.memory_space<hbm>>
        %dma_start3A_26 = arith.constant 0 : i32
        %dma_start3A_27 = tpu.memref_slice %arg7[%add3A_19, %dma_start3A_26] : memref<8448x128xf32, #tpu.memory_space<hbm>> -> memref<88x128xf32, #tpu.memory_space<hbm>>
        tpu.enqueue_dma source(%arg13 : memref<88x128xf32, #tpu.memory_space<vmem>>) target(%dma_start3A_27 : memref<88x128xf32, #tpu.memory_space<hbm>>) target_semaphore(%run_scoped3A : memref<!tpu.dma_semaphore, #tpu.memory_space<semaphore_mem>>)
        %dma_wait3A_28 = arith.constant 0 : i32
        %dma_wait3A_29 = tpu.memref_slice %arg7[%add3A_19, %dma_wait3A_28] : memref<8448x128xf32, #tpu.memory_space<hbm>> -> memref<88x128xf32, #tpu.memory_space<hbm>>
        %dma_wait3A_30 = arith.constant 0 : i32
        %dma_wait3A_31 = tpu.memref_slice %arg7[%add3A_19, %dma_wait3A_30] : memref<8448x128xf32, #tpu.memory_space<hbm>> -> memref<88x128xf32, #tpu.memory_space<hbm>>
        tpu.wait_dma2 semaphore(%run_scoped3A : memref<!tpu.dma_semaphore, #tpu.memory_space<semaphore_mem>>) src(%arg13 : memref<88x128xf32, #tpu.memory_space<vmem>>) dst(%dma_wait3A_31 : memref<88x128xf32, #tpu.memory_space<hbm>>)
        tpu.yield
      }) : () -> ()
    }
    %scan3A_15 = arith.constant 3 : i32
    return
  }
}

module attributes {stable_mosaic.version = 14 : i64} {
  func.func @_nbr_body(%arg0: i32, %arg1: memref<128x64x128xf32, #tpu.memory_space<vmem>>, %arg2: memref<128x64xi32, #tpu.memory_space<vmem>>, %arg3: memref<128x128xf32, #tpu.memory_space<vmem>>, %arg4: memref<128x128xf32, #tpu.memory_space<vmem>>, %arg5: memref<1x128xf32, #tpu.memory_space<vmem>>, %arg6: memref<1x128xf32, #tpu.memory_space<vmem>>, %arg7: memref<1x128xf32, #tpu.memory_space<vmem>>, %arg8: memref<1x1xf32, #tpu.memory_space<vmem>>, %arg9: memref<128x128xf32, #tpu.memory_space<vmem>>) attributes {dimension_semantics = [#tpu.dimension_semantics<arbitrary>], iteration_bounds = array<i64: 65>, scalar_prefetch = 0 : i64, scratch_operands = 0 : i64, tpu.core_type = #tpu.core_type<tc>, window_params = [{transform_indices = @transform_0, window_bounds = array<i64: 128, 64, 128>}, {transform_indices = @transform_1, window_bounds = array<i64: 128, 64>}, {transform_indices = @transform_2, window_bounds = array<i64: 128, 128>}, {pipeline_mode = #tpu.pipeline_mode<synchronous>, transform_indices = @transform_3, window_bounds = array<i64: 128, 128>}, {pipeline_mode = #tpu.pipeline_mode<synchronous>, transform_indices = @transform_4, window_bounds = array<i64: 1, 128>}, {pipeline_mode = #tpu.pipeline_mode<synchronous>, transform_indices = @transform_5, window_bounds = array<i64: 1, 128>}, {pipeline_mode = #tpu.pipeline_mode<synchronous>, transform_indices = @transform_6, window_bounds = array<i64: 1, 128>}, {pipeline_mode = #tpu.pipeline_mode<synchronous>, transform_indices = @transform_7, window_bounds = array<i64: 1, 1>}, {transform_indices = @transform_8, window_bounds = array<i64: 128, 128>}]} {
    %get3A = arith.constant 0 : index
    %get3A_0 = arith.constant 0 : index
    %get3A_1 = arith.constant 0 : index
    %get3A_2 = vector.load %arg1[%get3A, %get3A_0, %get3A_1] : memref<128x64x128xf32, #tpu.memory_space<vmem>>, vector<128x64x128xf32>
    %reshape3A = vector.shape_cast %get3A_2 : vector<128x64x128xf32> to vector<8192x128xf32>
    %get3A_3 = arith.constant 0 : index
    %get3A_4 = arith.constant 0 : index
    %get3A_5 = vector.load %arg4[%get3A_3, %get3A_4] : memref<128x128xf32, #tpu.memory_space<vmem>>, vector<128x128xf32>
    %dot_general3A = arith.constant dense<0.000000e+00> : vector<8192x128xf32>
    %dot_general3A_6 = tpu.matmul %reshape3A, %get3A_5, %dot_general3A {dimension_numbers = #tpu.dot_dimension_numbers<[1], [0], [0], [1], [0, 0, 1, 1], [], []>, transpose_lhs_hint = false} : vector<8192x128xf32>, vector<128x128xf32>, vector<8192x128xf32> -> vector<8192x128xf32>
    %get3A_7 = arith.constant 0 : index
    %get3A_8 = arith.constant 0 : index
    %get3A_9 = vector.load %arg5[%get3A_7, %get3A_8] : memref<1x128xf32, #tpu.memory_space<vmem>>, vector<1x128xf32>
    %add3A = vector.broadcast %get3A_9 : vector<1x128xf32> to vector<8192x128xf32>
    %add3A_10 = arith.addf %dot_general3A_6, %add3A : vector<8192x128xf32>
    %ge3A = arith.constant 0.000000e+00 : f32
    %ge3A_11 = vector.broadcast %ge3A : f32 to vector<8192x128xf32>
    %ge3A_12 = arith.cmpf oge, %add3A_10, %ge3A_11 : vector<8192x128xf32>
    %mul3A = arith.constant 0.00999999977 : f32
    %mul3A_13 = vector.broadcast %mul3A : f32 to vector<8192x128xf32>
    %mul3A_14 = arith.mulf %mul3A_13, %add3A_10 : vector<8192x128xf32>
    %select_n3A = arith.select %ge3A_12, %add3A_10, %mul3A_14 : vector<8192x128xi1>, vector<8192x128xf32>
    %get3A_15 = arith.constant 0 : index
    %get3A_16 = arith.constant 0 : index
    %get3A_17 = vector.load %arg2[%get3A_15, %get3A_16] : memref<128x64xi32, #tpu.memory_space<vmem>>, vector<128x64xi32>
    %ne3A = arith.constant 100000 : i32
    %ne3A_18 = vector.broadcast %ne3A : i32 to vector<128x64xi32>
    %ne3A_19 = arith.cmpi ne, %get3A_17, %ne3A_18 : vector<128x64xi32>
    %convert_element_type3A = arith.extui %ne3A_19 : vector<128x64xi1> to vector<128x64xi32>
    %convert_element_type3A_20 = arith.sitofp %convert_element_type3A : vector<128x64xi32> to vector<128x64xf32>
    %reshape3A_21 = vector.shape_cast %select_n3A : vector<8192x128xf32> to vector<128x64x128xf32>
    %broadcast_in_dim3A = vector.shape_cast %convert_element_type3A_20 : vector<128x64xf32> to vector<128x64x1xf32>
    %mul3A_22 = vector.broadcast %broadcast_in_dim3A : vector<128x64x1xf32> to vector<128x64x128xf32>
    %mul3A_23 = arith.mulf %reshape3A_21, %mul3A_22 : vector<128x64x128xf32>
    %reduce_sum3A = arith.constant dense<0.000000e+00> : vector<128xf32>
    %reduce_sum3A_24 = vector.multi_reduction <add>, %convert_element_type3A_20, %reduce_sum3A [1] : vector<128x64xf32> to vector<128xf32>
    %broadcast_in_dim3A_25 = vector.shape_cast %reduce_sum3A_24 : vector<128xf32> to vector<128x1xf32>
    %reduce_sum3A_26 = arith.constant dense<0.000000e+00> : vector<128x128xf32>
    %reduce_sum3A_27 = vector.multi_reduction <add>, %mul3A_23, %reduce_sum3A_26 [1] : vector<128x64x128xf32> to vector<128x128xf32>
    %add3A_28 = arith.constant 9.99999971E-10 : f32
    %add3A_29 = vector.broadcast %add3A_28 : f32 to vector<128x1xf32>
    %add3A_30 = arith.addf %broadcast_in_dim3A_25, %add3A_29 : vector<128x1xf32>
    %div3A = vector.broadcast %add3A_30 : vector<128x1xf32> to vector<128x128xf32>
    %div3A_31 = arith.divf %reduce_sum3A_27, %div3A : vector<128x128xf32>
    %get3A_32 = arith.constant 0 : index
    %get3A_33 = arith.constant 0 : index
    %get3A_34 = vector.load %arg3[%get3A_32, %get3A_33] : memref<128x128xf32, #tpu.memory_space<vmem>>, vector<128x128xf32>
    %get3A_35 = arith.constant 0 : index
    %get3A_36 = arith.constant 0 : index
    %get3A_37 = vector.load %arg6[%get3A_35, %get3A_36] : memref<1x128xf32, #tpu.memory_space<vmem>>, vector<1x128xf32>
    %mul3A_38 = vector.broadcast %get3A_37 : vector<1x128xf32> to vector<128x128xf32>
    %mul3A_39 = arith.mulf %get3A_34, %mul3A_38 : vector<128x128xf32>
    %reduce_sum3A_40 = arith.constant dense<0.000000e+00> : vector<128xf32>
    %reduce_sum3A_41 = vector.multi_reduction <add>, %mul3A_39, %reduce_sum3A_40 [1] : vector<128x128xf32> to vector<128xf32>
    %broadcast_in_dim3A_42 = vector.shape_cast %reduce_sum3A_41 : vector<128xf32> to vector<128x1xf32>
    %get3A_43 = arith.constant 0 : index
    %get3A_44 = arith.constant 0 : index
    %get3A_45 = vector.load %arg7[%get3A_43, %get3A_44] : memref<1x128xf32, #tpu.memory_space<vmem>>, vector<1x128xf32>
    %mul3A_46 = vector.broadcast %get3A_45 : vector<1x128xf32> to vector<128x128xf32>
    %mul3A_47 = arith.mulf %div3A_31, %mul3A_46 : vector<128x128xf32>
    %reduce_sum3A_48 = arith.constant dense<0.000000e+00> : vector<128xf32>
    %reduce_sum3A_49 = vector.multi_reduction <add>, %mul3A_47, %reduce_sum3A_48 [1] : vector<128x128xf32> to vector<128xf32>
    %broadcast_in_dim3A_50 = vector.shape_cast %reduce_sum3A_49 : vector<128xf32> to vector<128x1xf32>
    %add3A_51 = arith.addf %broadcast_in_dim3A_42, %broadcast_in_dim3A_50 : vector<128x1xf32>
    %get3A_52 = arith.constant 0 : index
    %get3A_53 = arith.constant 0 : index
    %get3A_54 = vector.load %arg8[%get3A_52, %get3A_53] : memref<1x1xf32, #tpu.memory_space<vmem>>, vector<1x1xf32>
    %add3A_55 = vector.broadcast %get3A_54 : vector<1x1xf32> to vector<128x1xf32>
    %add3A_56 = arith.addf %add3A_51, %add3A_55 : vector<128x1xf32>
    %logistic3A = arith.negf %add3A_56 : vector<128x1xf32>
    %logistic3A_57 = math.exp %logistic3A : vector<128x1xf32>
    %logistic3A_58 = arith.constant 1.000000e+00 : f32
    %logistic3A_59 = vector.broadcast %logistic3A_58 : f32 to vector<128x1xf32>
    %logistic3A_60 = arith.addf %logistic3A_59, %logistic3A_57 : vector<128x1xf32>
    %logistic3A_61 = arith.divf %logistic3A_59, %logistic3A_60 : vector<128x1xf32>
    %mul3A_62 = vector.broadcast %logistic3A_61 : vector<128x1xf32> to vector<128x128xf32>
    %mul3A_63 = arith.mulf %mul3A_62, %div3A_31 : vector<128x128xf32>
    %add3A_64 = arith.addf %get3A_34, %mul3A_63 : vector<128x128xf32>
    %tanh3A = math.tanh %add3A_64 : vector<128x128xf32>
    %swap3A = arith.constant 0 : index
    %swap3A_65 = arith.constant 0 : index
    %swap3A_66 = vector.load %arg9[%swap3A, %swap3A_65] : memref<128x128xf32, #tpu.memory_space<vmem>>, vector<128x128xf32>
    tpu.vector_store %arg9[%swap3A, %swap3A_65], %tanh3A {strides = array<i32>} : memref<128x128xf32, #tpu.memory_space<vmem>>, vector<128x128xf32>,
    return
  }
  func.func @transform_0(%arg0: i32) -> (i32, i32, i32) {
    %c0_i32 = arith.constant 0 : i32
    %c0_i32_0 = arith.constant 0 : i32
    %c0_i32_1 = arith.constant 0 : i32
    return %arg0, %c0_i32, %c0_i32_0 : i32, i32, i32
  }
  func.func @transform_1(%arg0: i32) -> (i32, i32) {
    %c0_i32 = arith.constant 0 : i32
    %c0_i32_0 = arith.constant 0 : i32
    return %arg0, %c0_i32 : i32, i32
  }
  func.func @transform_2(%arg0: i32) -> (i32, i32) {
    %c0_i32 = arith.constant 0 : i32
    %c0_i32_0 = arith.constant 0 : i32
    return %arg0, %c0_i32 : i32, i32
  }
  func.func @transform_3(%arg0: i32) -> (i32, i32) {
    %c0_i32 = arith.constant 0 : i32
    %c0_i32_0 = arith.constant 0 : i32
    %c0_i32_1 = arith.constant 0 : i32
    return %c0_i32, %c0_i32_0 : i32, i32
  }
  func.func @transform_4(%arg0: i32) -> (i32, i32) {
    %c0_i32 = arith.constant 0 : i32
    %c0_i32_0 = arith.constant 0 : i32
    %c0_i32_1 = arith.constant 0 : i32
    return %c0_i32, %c0_i32_0 : i32, i32
  }
  func.func @transform_5(%arg0: i32) -> (i32, i32) {
    %c0_i32 = arith.constant 0 : i32
    %c0_i32_0 = arith.constant 0 : i32
    %c0_i32_1 = arith.constant 0 : i32
    return %c0_i32, %c0_i32_0 : i32, i32
  }
  func.func @transform_6(%arg0: i32) -> (i32, i32) {
    %c0_i32 = arith.constant 0 : i32
    %c0_i32_0 = arith.constant 0 : i32
    %c0_i32_1 = arith.constant 0 : i32
    return %c0_i32, %c0_i32_0 : i32, i32
  }
  func.func @transform_7(%arg0: i32) -> (i32, i32) {
    %c0_i32 = arith.constant 0 : i32
    %c0_i32_0 = arith.constant 0 : i32
    %c0_i32_1 = arith.constant 0 : i32
    return %c0_i32, %c0_i32_0 : i32, i32
  }
  func.func @transform_8(%arg0: i32) -> (i32, i32) {
    %c0_i32 = arith.constant 0 : i32
    %c0_i32_0 = arith.constant 0 : i32
    return %arg0, %c0_i32 : i32, i32
  }
}

module attributes {stable_mosaic.version = 14 : i64} {
  func.func @_sup_body(%arg0: i32, %arg1: memref<64x128xf32, #tpu.memory_space<vmem>>, %arg2: memref<64x128xf32, #tpu.memory_space<vmem>>, %arg3: memref<256x512xf32, #tpu.memory_space<vmem>>, %arg4: memref<1x512xf32, #tpu.memory_space<vmem>>, %arg5: memref<512x256xf32, #tpu.memory_space<vmem>>, %arg6: memref<1x256xf32, #tpu.memory_space<vmem>>, %arg7: memref<1x256xf32, #tpu.memory_space<vmem>>, %arg8: memref<1x256xf32, #tpu.memory_space<vmem>>, %arg9: memref<8x256xf32, #tpu.memory_space<vmem>>) attributes {dimension_semantics = [#tpu.dimension_semantics<arbitrary>], iteration_bounds = array<i64: 1>, scalar_prefetch = 0 : i64, scratch_operands = 0 : i64, tpu.core_type = #tpu.core_type<tc>, window_params = [{transform_indices = @transform_0, window_bounds = array<i64: 64, 128>}, {transform_indices = @transform_1, window_bounds = array<i64: 64, 128>}, {pipeline_mode = #tpu.pipeline_mode<synchronous>, transform_indices = @transform_2, window_bounds = array<i64: 256, 512>}, {pipeline_mode = #tpu.pipeline_mode<synchronous>, transform_indices = @transform_3, window_bounds = array<i64: 1, 512>}, {pipeline_mode = #tpu.pipeline_mode<synchronous>, transform_indices = @transform_4, window_bounds = array<i64: 512, 256>}, {pipeline_mode = #tpu.pipeline_mode<synchronous>, transform_indices = @transform_5, window_bounds = array<i64: 1, 256>}, {pipeline_mode = #tpu.pipeline_mode<synchronous>, transform_indices = @transform_6, window_bounds = array<i64: 1, 256>}, {pipeline_mode = #tpu.pipeline_mode<synchronous>, transform_indices = @transform_7, window_bounds = array<i64: 1, 256>}, {pipeline_mode = #tpu.pipeline_mode<synchronous>, transform_indices = @transform_8, window_bounds = array<i64: 8, 256>}]} {
    %get3A = arith.constant 0 : index
    %get3A_0 = arith.constant 0 : index
    %get3A_1 = vector.load %arg1[%get3A, %get3A_0] : memref<64x128xf32, #tpu.memory_space<vmem>>, vector<64x128xf32>
    %get3A_2 = arith.constant 0 : index
    %get3A_3 = arith.constant 0 : index
    %get3A_4 = vector.load %arg2[%get3A_2, %get3A_3] : memref<64x128xf32, #tpu.memory_space<vmem>>, vector<64x128xf32>
    %concatenate3A = tpu.concatenate %get3A_1, %get3A_4 in 1 : vector<64x128xf32>, vector<64x128xf32> -> vector<64x256xf32>
    %get3A_5 = arith.constant 0 : index
    %get3A_6 = arith.constant 0 : index
    %get3A_7 = vector.load %arg3[%get3A_5, %get3A_6] : memref<256x512xf32, #tpu.memory_space<vmem>>, vector<256x512xf32>
    %get3A_8 = arith.constant 0 : index
    %get3A_9 = arith.constant 0 : index
    %get3A_10 = vector.load %arg4[%get3A_8, %get3A_9] : memref<1x512xf32, #tpu.memory_space<vmem>>, vector<1x512xf32>
    %get3A_11 = arith.constant 0 : index
    %get3A_12 = arith.constant 0 : index
    %get3A_13 = vector.load %arg5[%get3A_11, %get3A_12] : memref<512x256xf32, #tpu.memory_space<vmem>>, vector<512x256xf32>
    %get3A_14 = arith.constant 0 : index
    %get3A_15 = arith.constant 0 : index
    %get3A_16 = vector.load %arg6[%get3A_14, %get3A_15] : memref<1x256xf32, #tpu.memory_space<vmem>>, vector<1x256xf32>
    %get3A_17 = arith.constant 0 : index
    %get3A_18 = arith.constant 0 : index
    %get3A_19 = vector.load %arg7[%get3A_17, %get3A_18] : memref<1x256xf32, #tpu.memory_space<vmem>>, vector<1x256xf32>
    %get3A_20 = arith.constant 0 : index
    %get3A_21 = arith.constant 0 : index
    %get3A_22 = vector.load %arg8[%get3A_20, %get3A_21] : memref<1x256xf32, #tpu.memory_space<vmem>>, vector<1x256xf32>
    %dot_general3A = arith.constant dense<0.000000e+00> : vector<64x512xf32>
    %dot_general3A_23 = tpu.matmul %concatenate3A, %get3A_7, %dot_general3A {dimension_numbers = #tpu.dot_dimension_numbers<[1], [0], [0], [1], [0, 0, 1, 1], [], []>, transpose_lhs_hint = false} : vector<64x256xf32>, vector<256x512xf32>, vector<64x512xf32> -> vector<64x512xf32>
    %add3A = vector.broadcast %get3A_10 : vector<1x512xf32> to vector<64x512xf32>
    %add3A_24 = arith.addf %dot_general3A_23, %add3A : vector<64x512xf32>
    %max3A = arith.constant 0.000000e+00 : f32
    %max3A_25 = vector.broadcast %max3A : f32 to vector<64x512xf32>
    %max3A_26 = arith.maximumf %add3A_24, %max3A_25 : vector<64x512xf32>
    %dot_general3A_27 = arith.constant dense<0.000000e+00> : vector<64x256xf32>
    %dot_general3A_28 = tpu.matmul %max3A_26, %get3A_13, %dot_general3A_27 {dimension_numbers = #tpu.dot_dimension_numbers<[1], [0], [0], [1], [0, 0, 1, 1], [], []>, transpose_lhs_hint = false} : vector<64x512xf32>, vector<512x256xf32>, vector<64x256xf32> -> vector<64x256xf32>
    %add3A_29 = vector.broadcast %get3A_16 : vector<1x256xf32> to vector<64x256xf32>
    %add3A_30 = arith.addf %dot_general3A_28, %add3A_29 : vector<64x256xf32>
    %add3A_31 = arith.addf %add3A_30, %concatenate3A : vector<64x256xf32>
    %reduce_sum3A = arith.constant dense<0.000000e+00> : vector<64xf32>
    %reduce_sum3A_32 = vector.multi_reduction <add>, %add3A_31, %reduce_sum3A [1] : vector<64x256xf32> to vector<64xf32>
    %broadcast_in_dim3A = vector.shape_cast %reduce_sum3A_32 : vector<64xf32> to vector<64x1xf32>
    %div3A = arith.constant 2.560000e+02 : f32
    %div3A_33 = vector.broadcast %div3A : f32 to vector<64x1xf32>
    %div3A_34 = arith.divf %broadcast_in_dim3A, %div3A_33 : vector<64x1xf32>
    %sub3A = vector.broadcast %div3A_34 : vector<64x1xf32> to vector<64x256xf32>
    %sub3A_35 = arith.subf %add3A_31, %sub3A : vector<64x256xf32>
    %mul3A = arith.mulf %sub3A_35, %sub3A_35 : vector<64x256xf32>
    %reduce_sum3A_36 = arith.constant dense<0.000000e+00> : vector<64xf32>
    %reduce_sum3A_37 = vector.multi_reduction <add>, %mul3A, %reduce_sum3A_36 [1] : vector<64x256xf32> to vector<64xf32>
    %broadcast_in_dim3A_38 = vector.shape_cast %reduce_sum3A_37 : vector<64xf32> to vector<64x1xf32>
    %div3A_39 = arith.constant 2.550000e+02 : f32
    %div3A_40 = vector.broadcast %div3A_39 : f32 to vector<64x1xf32>
    %div3A_41 = arith.divf %broadcast_in_dim3A_38, %div3A_40 : vector<64x1xf32>
    %sqrt3A = math.sqrt %div3A_41 : vector<64x1xf32>
    %add3A_42 = arith.constant 1.000000e-03 : f32
    %add3A_43 = vector.broadcast %add3A_42 : f32 to vector<64x1xf32>
    %add3A_44 = arith.addf %sqrt3A, %add3A_43 : vector<64x1xf32>
    %div3A_45 = vector.broadcast %add3A_44 : vector<64x1xf32> to vector<64x256xf32>
    %div3A_46 = arith.divf %sub3A_35, %div3A_45 : vector<64x256xf32>
    %mul3A_47 = vector.broadcast %get3A_19 : vector<1x256xf32> to vector<64x256xf32>
    %mul3A_48 = arith.mulf %div3A_46, %mul3A_47 : vector<64x256xf32>
    %add3A_49 = vector.broadcast %get3A_22 : vector<1x256xf32> to vector<64x256xf32>
    %add3A_50 = arith.addf %mul3A_48, %add3A_49 : vector<64x256xf32>
    %reduce_sum3A_51 = arith.constant dense<0.000000e+00> : vector<256xf32>
    %reduce_sum3A_52 = vector.multi_reduction <add>, %add3A_50, %reduce_sum3A_51 [0] : vector<64x256xf32> to vector<256xf32>
    %broadcast_in_dim3A_53 = vector.shape_cast %reduce_sum3A_52 : vector<256xf32> to vector<1x256xf32>
    %div3A_54 = arith.constant 6.400000e+01 : f32
    %div3A_55 = vector.broadcast %div3A_54 : f32 to vector<1x256xf32>
    %div3A_56 = arith.divf %broadcast_in_dim3A_53, %div3A_55 : vector<1x256xf32>
    %broadcast_in_dim3A_57 = vector.shape_cast %div3A_56 : vector<1x256xf32> to vector<1x256xf32>
    %broadcast_in_dim3A_58 = vector.broadcast %broadcast_in_dim3A_57 : vector<1x256xf32> to vector<8x256xf32>
    %swap3A = arith.constant 0 : index
    %swap3A_59 = arith.constant 0 : index
    %swap3A_60 = vector.load %arg9[%swap3A, %swap3A_59] : memref<8x256xf32, #tpu.memory_space<vmem>>, vector<8x256xf32>
    tpu.vector_store %arg9[%swap3A, %swap3A_59], %broadcast_in_dim3A_58 {strides = array<i32>} : memref<8x256xf32, #tpu.memory_space<vmem>>, vector<8x256xf32>,
    return
  }
  func.func @transform_0(%arg0: i32) -> (i32, i32) {
    %c128_i32 = arith.constant 128 : i32
    %c0_i32 = arith.constant 0 : i32
    %c0_i32_0 = arith.constant 0 : i32
    return %c128_i32, %c0_i32 : i32, i32
  }
  func.func @transform_1(%arg0: i32) -> (i32, i32) {
    %c129_i32 = arith.constant 129 : i32
    %c0_i32 = arith.constant 0 : i32
    %c0_i32_0 = arith.constant 0 : i32
    return %c129_i32, %c0_i32 : i32, i32
  }
  func.func @transform_2(%arg0: i32) -> (i32, i32) {
    %c0_i32 = arith.constant 0 : i32
    %c0_i32_0 = arith.constant 0 : i32
    %c0_i32_1 = arith.constant 0 : i32
    return %c0_i32, %c0_i32_0 : i32, i32
  }
  func.func @transform_3(%arg0: i32) -> (i32, i32) {
    %c0_i32 = arith.constant 0 : i32
    %c0_i32_0 = arith.constant 0 : i32
    %c0_i32_1 = arith.constant 0 : i32
    return %c0_i32, %c0_i32_0 : i32, i32
  }
  func.func @transform_4(%arg0: i32) -> (i32, i32) {
    %c0_i32 = arith.constant 0 : i32
    %c0_i32_0 = arith.constant 0 : i32
    %c0_i32_1 = arith.constant 0 : i32
    return %c0_i32, %c0_i32_0 : i32, i32
  }
  func.func @transform_5(%arg0: i32) -> (i32, i32) {
    %c0_i32 = arith.constant 0 : i32
    %c0_i32_0 = arith.constant 0 : i32
    %c0_i32_1 = arith.constant 0 : i32
    return %c0_i32, %c0_i32_0 : i32, i32
  }
  func.func @transform_6(%arg0: i32) -> (i32, i32) {
    %c0_i32 = arith.constant 0 : i32
    %c0_i32_0 = arith.constant 0 : i32
    %c0_i32_1 = arith.constant 0 : i32
    return %c0_i32, %c0_i32_0 : i32, i32
  }
  func.func @transform_7(%arg0: i32) -> (i32, i32) {
    %c0_i32 = arith.constant 0 : i32
    %c0_i32_0 = arith.constant 0 : i32
    %c0_i32_1 = arith.constant 0 : i32
    return %c0_i32, %c0_i32_0 : i32, i32
  }
  func.func @transform_8(%arg0: i32) -> (i32, i32) {
    %c0_i32 = arith.constant 0 : i32
    %c0_i32_0 = arith.constant 0 : i32
    %c0_i32_1 = arith.constant 0 : i32
    return %c0_i32, %c0_i32_0 : i32, i32
  }
}

module attributes {stable_mosaic.version = 14 : i64} {
  func.func @_q_body(%arg0: i32, %arg1: memref<256x128xf32, #tpu.memory_space<vmem>>, %arg2: memref<256x128xf32, #tpu.memory_space<vmem>>, %arg3: memref<8x256xf32, #tpu.memory_space<vmem>>, %arg4: memref<256x512xf32, #tpu.memory_space<vmem>>, %arg5: memref<1x512xf32, #tpu.memory_space<vmem>>, %arg6: memref<512x256xf32, #tpu.memory_space<vmem>>, %arg7: memref<1x256xf32, #tpu.memory_space<vmem>>, %arg8: memref<1x256xf32, #tpu.memory_space<vmem>>, %arg9: memref<1x256xf32, #tpu.memory_space<vmem>>, %arg10: memref<256x2048xf32, #tpu.memory_space<vmem>>, %arg11: memref<1x2048xf32, #tpu.memory_space<vmem>>, %arg12: memref<256x2048xf32, #tpu.memory_space<vmem>>, %arg13: memref<256x2048xf32, #tpu.memory_space<vmem>>, %arg14: memref<256x1xf32, #tpu.memory_space<vmem>>) attributes {dimension_semantics = [#tpu.dimension_semantics<arbitrary>], iteration_bounds = array<i64: 16>, scalar_prefetch = 0 : i64, scratch_operands = 0 : i64, tpu.core_type = #tpu.core_type<tc>, window_params = [{transform_indices = @transform_0, window_bounds = array<i64: 256, 128>}, {transform_indices = @transform_1, window_bounds = array<i64: 256, 128>}, {pipeline_mode = #tpu.pipeline_mode<synchronous>, transform_indices = @transform_2, window_bounds = array<i64: 8, 256>}, {pipeline_mode = #tpu.pipeline_mode<synchronous>, transform_indices = @transform_3, window_bounds = array<i64: 256, 512>}, {pipeline_mode = #tpu.pipeline_mode<synchronous>, transform_indices = @transform_4, window_bounds = array<i64: 1, 512>}, {pipeline_mode = #tpu.pipeline_mode<synchronous>, transform_indices = @transform_5, window_bounds = array<i64: 512, 256>}, {pipeline_mode = #tpu.pipeline_mode<synchronous>, transform_indices = @transform_6, window_bounds = array<i64: 1, 256>}, {pipeline_mode = #tpu.pipeline_mode<synchronous>, transform_indices = @transform_7, window_bounds = array<i64: 1, 256>}, {pipeline_mode = #tpu.pipeline_mode<synchronous>, transform_indices = @transform_8, window_bounds = array<i64: 1, 256>}, {pipeline_mode = #tpu.pipeline_mode<synchronous>, transform_indices = @transform_9, window_bounds = array<i64: 256, 2048>}, {pipeline_mode = #tpu.pipeline_mode<synchronous>, transform_indices = @transform_10, window_bounds = array<i64: 1, 2048>}, {pipeline_mode = #tpu.pipeline_mode<synchronous>, transform_indices = @transform_11, window_bounds = array<i64: 256, 2048>}, {pipeline_mode = #tpu.pipeline_mode<synchronous>, transform_indices = @transform_12, window_bounds = array<i64: 256, 2048>}, {transform_indices = @transform_13, window_bounds = array<i64: 256, 1>}]} {
    %get3A = arith.constant 0 : index
    %get3A_0 = arith.constant 0 : index
    %get3A_1 = vector.load %arg1[%get3A, %get3A_0] : memref<256x128xf32, #tpu.memory_space<vmem>>, vector<256x128xf32>
    %get3A_2 = arith.constant 0 : index
    %get3A_3 = arith.constant 0 : index
    %get3A_4 = vector.load %arg2[%get3A_2, %get3A_3] : memref<256x128xf32, #tpu.memory_space<vmem>>, vector<256x128xf32>
    %concatenate3A = tpu.concatenate %get3A_1, %get3A_4 in 1 : vector<256x128xf32>, vector<256x128xf32> -> vector<256x256xf32>
    %get3A_5 = arith.constant 0 : index
    %get3A_6 = arith.constant 0 : index
    %get3A_7 = vector.load %arg4[%get3A_5, %get3A_6] : memref<256x512xf32, #tpu.memory_space<vmem>>, vector<256x512xf32>
    %get3A_8 = arith.constant 0 : index
    %get3A_9 = arith.constant 0 : index
    %get3A_10 = vector.load %arg5[%get3A_8, %get3A_9] : memref<1x512xf32, #tpu.memory_space<vmem>>, vector<1x512xf32>
    %get3A_11 = arith.constant 0 : index
    %get3A_12 = arith.constant 0 : index
    %get3A_13 = vector.load %arg6[%get3A_11, %get3A_12] : memref<512x256xf32, #tpu.memory_space<vmem>>, vector<512x256xf32>
    %get3A_14 = arith.constant 0 : index
    %get3A_15 = arith.constant 0 : index
    %get3A_16 = vector.load %arg7[%get3A_14, %get3A_15] : memref<1x256xf32, #tpu.memory_space<vmem>>, vector<1x256xf32>
    %get3A_17 = arith.constant 0 : index
    %get3A_18 = arith.constant 0 : index
    %get3A_19 = vector.load %arg8[%get3A_17, %get3A_18] : memref<1x256xf32, #tpu.memory_space<vmem>>, vector<1x256xf32>
    %get3A_20 = arith.constant 0 : index
    %get3A_21 = arith.constant 0 : index
    %get3A_22 = vector.load %arg9[%get3A_20, %get3A_21] : memref<1x256xf32, #tpu.memory_space<vmem>>, vector<1x256xf32>
    %dot_general3A = arith.constant dense<0.000000e+00> : vector<256x512xf32>
    %dot_general3A_23 = tpu.matmul %concatenate3A, %get3A_7, %dot_general3A {dimension_numbers = #tpu.dot_dimension_numbers<[1], [0], [0], [1], [0, 0, 1, 1], [], []>, transpose_lhs_hint = false} : vector<256x256xf32>, vector<256x512xf32>, vector<256x512xf32> -> vector<256x512xf32>
    %add3A = vector.broadcast %get3A_10 : vector<1x512xf32> to vector<256x512xf32>
    %add3A_24 = arith.addf %dot_general3A_23, %add3A : vector<256x512xf32>
    %max3A = arith.constant 0.000000e+00 : f32
    %max3A_25 = vector.broadcast %max3A : f32 to vector<256x512xf32>
    %max3A_26 = arith.maximumf %add3A_24, %max3A_25 : vector<256x512xf32>
    %dot_general3A_27 = arith.constant dense<0.000000e+00> : vector<256x256xf32>
    %dot_general3A_28 = tpu.matmul %max3A_26, %get3A_13, %dot_general3A_27 {dimension_numbers = #tpu.dot_dimension_numbers<[1], [0], [0], [1], [0, 0, 1, 1], [], []>, transpose_lhs_hint = false} : vector<256x512xf32>, vector<512x256xf32>, vector<256x256xf32> -> vector<256x256xf32>
    %add3A_29 = vector.broadcast %get3A_16 : vector<1x256xf32> to vector<256x256xf32>
    %add3A_30 = arith.addf %dot_general3A_28, %add3A_29 : vector<256x256xf32>
    %add3A_31 = arith.addf %add3A_30, %concatenate3A : vector<256x256xf32>
    %reduce_sum3A = arith.constant dense<0.000000e+00> : vector<256xf32>
    %reduce_sum3A_32 = vector.multi_reduction <add>, %add3A_31, %reduce_sum3A [1] : vector<256x256xf32> to vector<256xf32>
    %broadcast_in_dim3A = vector.shape_cast %reduce_sum3A_32 : vector<256xf32> to vector<256x1xf32>
    %div3A = arith.constant 2.560000e+02 : f32
    %div3A_33 = vector.broadcast %div3A : f32 to vector<256x1xf32>
    %div3A_34 = arith.divf %broadcast_in_dim3A, %div3A_33 : vector<256x1xf32>
    %sub3A = vector.broadcast %div3A_34 : vector<256x1xf32> to vector<256x256xf32>
    %sub3A_35 = arith.subf %add3A_31, %sub3A : vector<256x256xf32>
    %mul3A = arith.mulf %sub3A_35, %sub3A_35 : vector<256x256xf32>
    %reduce_sum3A_36 = arith.constant dense<0.000000e+00> : vector<256xf32>
    %reduce_sum3A_37 = vector.multi_reduction <add>, %mul3A, %reduce_sum3A_36 [1] : vector<256x256xf32> to vector<256xf32>
    %broadcast_in_dim3A_38 = vector.shape_cast %reduce_sum3A_37 : vector<256xf32> to vector<256x1xf32>
    %div3A_39 = arith.constant 2.550000e+02 : f32
    %div3A_40 = vector.broadcast %div3A_39 : f32 to vector<256x1xf32>
    %div3A_41 = arith.divf %broadcast_in_dim3A_38, %div3A_40 : vector<256x1xf32>
    %sqrt3A = math.sqrt %div3A_41 : vector<256x1xf32>
    %add3A_42 = arith.constant 1.000000e-03 : f32
    %add3A_43 = vector.broadcast %add3A_42 : f32 to vector<256x1xf32>
    %add3A_44 = arith.addf %sqrt3A, %add3A_43 : vector<256x1xf32>
    %div3A_45 = vector.broadcast %add3A_44 : vector<256x1xf32> to vector<256x256xf32>
    %div3A_46 = arith.divf %sub3A_35, %div3A_45 : vector<256x256xf32>
    %mul3A_47 = vector.broadcast %get3A_19 : vector<1x256xf32> to vector<256x256xf32>
    %mul3A_48 = arith.mulf %div3A_46, %mul3A_47 : vector<256x256xf32>
    %add3A_49 = vector.broadcast %get3A_22 : vector<1x256xf32> to vector<256x256xf32>
    %add3A_50 = arith.addf %mul3A_48, %add3A_49 : vector<256x256xf32>
    %get3A_51 = arith.constant 0 : index
    %get3A_52 = arith.constant 0 : index
    %get3A_53 = vector.load %arg3[%get3A_51, %get3A_52] : memref<8x256xf32, #tpu.memory_space<vmem>>, vector<1x256xf32>
    %get3A_54 = arith.constant 0 : index
    %get3A_55 = arith.constant 0 : index
    %get3A_56 = vector.load %arg10[%get3A_54, %get3A_55] : memref<256x2048xf32, #tpu.memory_space<vmem>>, vector<256x2048xf32>
    %dot_general3A_57 = arith.constant dense<0.000000e+00> : vector<256x2048xf32>
    %dot_general3A_58 = tpu.matmul %add3A_50, %get3A_56, %dot_general3A_57 {dimension_numbers = #tpu.dot_dimension_numbers<[1], [0], [0], [1], [0, 0, 1, 1], [], []>, transpose_lhs_hint = false} : vector<256x256xf32>, vector<256x2048xf32>, vector<256x2048xf32> -> vector<256x2048xf32>
    %get3A_59 = arith.constant 0 : index
    %get3A_60 = arith.constant 0 : index
    %get3A_61 = vector.load %arg11[%get3A_59, %get3A_60] : memref<1x2048xf32, #tpu.memory_space<vmem>>, vector<1x2048xf32>
    %add3A_62 = vector.broadcast %get3A_61 : vector<1x2048xf32> to vector<256x2048xf32>
    %add3A_63 = arith.addf %dot_general3A_58, %add3A_62 : vector<256x2048xf32>
    %get3A_64 = arith.constant 0 : index
    %get3A_65 = arith.constant 0 : index
    %get3A_66 = vector.load %arg13[%get3A_64, %get3A_65] : memref<256x2048xf32, #tpu.memory_space<vmem>>, vector<256x2048xf32>
    %dot_general3A_67 = arith.constant dense<0.000000e+00> : vector<1x2048xf32>
    %dot_general3A_68 = tpu.matmul %get3A_53, %get3A_66, %dot_general3A_67 {dimension_numbers = #tpu.dot_dimension_numbers<[1], [0], [0], [1], [0, 0, 1, 1], [], []>, transpose_lhs_hint = false} : vector<1x256xf32>, vector<256x2048xf32>, vector<1x2048xf32> -> vector<1x2048xf32>
    %slice3A = vector.extract_strided_slice %add3A_63 {offsets = [0, 0], sizes = [256, 512], strides = [1, 1]} : vector<256x2048xf32> to vector<256x512xf32>
    %slice3A_69 = vector.extract_strided_slice %add3A_63 {offsets = [0, 1024], sizes = [256, 512], strides = [1, 1]} : vector<256x2048xf32> to vector<256x512xf32>
    %slice3A_70 = vector.extract_strided_slice %add3A_63 {offsets = [0, 1536], sizes = [256, 512], strides = [1, 1]} : vector<256x2048xf32> to vector<256x512xf32>
    %logistic3A = arith.negf %slice3A : vector<256x512xf32>
    %logistic3A_71 = math.exp %logistic3A : vector<256x512xf32>
    %logistic3A_72 = arith.constant 1.000000e+00 : f32
    %logistic3A_73 = vector.broadcast %logistic3A_72 : f32 to vector<256x512xf32>
    %logistic3A_74 = arith.addf %logistic3A_73, %logistic3A_71 : vector<256x512xf32>
    %logistic3A_75 = arith.divf %logistic3A_73, %logistic3A_74 : vector<256x512xf32>
    %tanh3A = math.tanh %slice3A_69 : vector<256x512xf32>
    %mul3A_76 = arith.mulf %logistic3A_75, %tanh3A : vector<256x512xf32>
    %logistic3A_77 = arith.negf %slice3A_70 : vector<256x512xf32>
    %logistic3A_78 = math.exp %logistic3A_77 : vector<256x512xf32>
    %logistic3A_79 = arith.constant 1.000000e+00 : f32
    %logistic3A_80 = vector.broadcast %logistic3A_79 : f32 to vector<256x512xf32>
    %logistic3A_81 = arith.addf %logistic3A_80, %logistic3A_78 : vector<256x512xf32>
    %logistic3A_82 = arith.divf %logistic3A_80, %logistic3A_81 : vector<256x512xf32>
    %tanh3A_83 = math.tanh %mul3A_76 : vector<256x512xf32>
    %mul3A_84 = arith.mulf %logistic3A_82, %tanh3A_83 : vector<256x512xf32>
    %slice3A_85 = vector.extract_strided_slice %mul3A_84 {offsets = [0, 0], sizes = [256, 256], strides = [1, 1]} : vector<256x512xf32> to vector<256x256xf32>
    %add3A_86 = arith.addf %add3A_50, %slice3A_85 : vector<256x256xf32>
    %add3A_87 = vector.broadcast %dot_general3A_68 : vector<1x2048xf32> to vector<256x2048xf32>
    %add3A_88 = arith.addf %add3A_63, %add3A_87 : vector<256x2048xf32>
    %get3A_89 = arith.constant 0 : index
    %get3A_90 = arith.constant 0 : index
    %get3A_91 = vector.load %arg12[%get3A_89, %get3A_90] : memref<256x2048xf32, #tpu.memory_space<vmem>>, vector<256x2048xf32>
    %dot_general3A_92 = arith.constant dense<0.000000e+00> : vector<256x2048xf32>
    %dot_general3A_93 = tpu.matmul %add3A_86, %get3A_91, %dot_general3A_92 {dimension_numbers = #tpu.dot_dimension_numbers<[1], [0], [0], [1], [0, 0, 1, 1], [], []>, transpose_lhs_hint = false} : vector<256x256xf32>, vector<256x2048xf32>, vector<256x2048xf32> -> vector<256x2048xf32>
    %add3A_94 = arith.addf %add3A_88, %dot_general3A_93 : vector<256x2048xf32>
    %slice3A_95 = vector.extract_strided_slice %add3A_94 {offsets = [0, 0], sizes = [256, 512], strides = [1, 1]} : vector<256x2048xf32> to vector<256x512xf32>
    %slice3A_96 = vector.extract_strided_slice %add3A_94 {offsets = [0, 512], sizes = [256, 512], strides = [1, 1]} : vector<256x2048xf32> to vector<256x512xf32>
    %slice3A_97 = vector.extract_strided_slice %add3A_94 {offsets = [0, 1024], sizes = [256, 512], strides = [1, 1]} : vector<256x2048xf32> to vector<256x512xf32>
    %slice3A_98 = vector.extract_strided_slice %add3A_94 {offsets = [0, 1536], sizes = [256, 512], strides = [1, 1]} : vector<256x2048xf32> to vector<256x512xf32>
    %logistic3A_99 = arith.negf %slice3A_96 : vector<256x512xf32>
    %logistic3A_100 = math.exp %logistic3A_99 : vector<256x512xf32>
    %logistic3A_101 = arith.constant 1.000000e+00 : f32
    %logistic3A_102 = vector.broadcast %logistic3A_101 : f32 to vector<256x512xf32>
    %logistic3A_103 = arith.addf %logistic3A_102, %logistic3A_100 : vector<256x512xf32>
    %logistic3A_104 = arith.divf %logistic3A_102, %logistic3A_103 : vector<256x512xf32>
    %mul3A_105 = arith.mulf %logistic3A_104, %mul3A_76 : vector<256x512xf32>
    %logistic3A_106 = arith.negf %slice3A_95 : vector<256x512xf32>
    %logistic3A_107 = math.exp %logistic3A_106 : vector<256x512xf32>
    %logistic3A_108 = arith.constant 1.000000e+00 : f32
    %logistic3A_109 = vector.broadcast %logistic3A_108 : f32 to vector<256x512xf32>
    %logistic3A_110 = arith.addf %logistic3A_109, %logistic3A_107 : vector<256x512xf32>
    %logistic3A_111 = arith.divf %logistic3A_109, %logistic3A_110 : vector<256x512xf32>
    %tanh3A_112 = math.tanh %slice3A_97 : vector<256x512xf32>
    %mul3A_113 = arith.mulf %logistic3A_111, %tanh3A_112 : vector<256x512xf32>
    %add3A_114 = arith.addf %mul3A_105, %mul3A_113 : vector<256x512xf32>
    %logistic3A_115 = arith.negf %slice3A_98 : vector<256x512xf32>
    %logistic3A_116 = math.exp %logistic3A_115 : vector<256x512xf32>
    %logistic3A_117 = arith.constant 1.000000e+00 : f32
    %logistic3A_118 = vector.broadcast %logistic3A_117 : f32 to vector<256x512xf32>
    %logistic3A_119 = arith.addf %logistic3A_118, %logistic3A_116 : vector<256x512xf32>
    %logistic3A_120 = arith.divf %logistic3A_118, %logistic3A_119 : vector<256x512xf32>
    %tanh3A_121 = math.tanh %add3A_114 : vector<256x512xf32>
    %mul3A_122 = arith.mulf %logistic3A_120, %tanh3A_121 : vector<256x512xf32>
    %slice3A_123 = vector.extract_strided_slice %mul3A_122 {offsets = [0, 0], sizes = [256, 256], strides = [1, 1]} : vector<256x512xf32> to vector<256x256xf32>
    %add3A_124 = arith.addf %add3A_50, %slice3A_123 : vector<256x256xf32>
    %add3A_125 = vector.broadcast %dot_general3A_68 : vector<1x2048xf32> to vector<256x2048xf32>
    %add3A_126 = arith.addf %add3A_63, %add3A_125 : vector<256x2048xf32>
    %get3A_127 = arith.constant 0 : index
    %get3A_128 = arith.constant 0 : index
    %get3A_129 = vector.load %arg12[%get3A_127, %get3A_128] : memref<256x2048xf32, #tpu.memory_space<vmem>>, vector<256x2048xf32>
    %dot_general3A_130 = arith.constant dense<0.000000e+00> : vector<256x2048xf32>
    %dot_general3A_131 = tpu.matmul %add3A_124, %get3A_129, %dot_general3A_130 {dimension_numbers = #tpu.dot_dimension_numbers<[1], [0], [0], [1], [0, 0, 1, 1], [], []>, transpose_lhs_hint = false} : vector<256x256xf32>, vector<256x2048xf32>, vector<256x2048xf32> -> vector<256x2048xf32>
    %add3A_132 = arith.addf %add3A_126, %dot_general3A_131 : vector<256x2048xf32>
    %slice3A_133 = vector.extract_strided_slice %add3A_132 {offsets = [0, 0], sizes = [256, 512], strides = [1, 1]} : vector<256x2048xf32> to vector<256x512xf32>
    %slice3A_134 = vector.extract_strided_slice %add3A_132 {offsets = [0, 512], sizes = [256, 512], strides = [1, 1]} : vector<256x2048xf32> to vector<256x512xf32>
    %slice3A_135 = vector.extract_strided_slice %add3A_132 {offsets = [0, 1024], sizes = [256, 512], strides = [1, 1]} : vector<256x2048xf32> to vector<256x512xf32>
    %slice3A_136 = vector.extract_strided_slice %add3A_132 {offsets = [0, 1536], sizes = [256, 512], strides = [1, 1]} : vector<256x2048xf32> to vector<256x512xf32>
    %logistic3A_137 = arith.negf %slice3A_134 : vector<256x512xf32>
    %logistic3A_138 = math.exp %logistic3A_137 : vector<256x512xf32>
    %logistic3A_139 = arith.constant 1.000000e+00 : f32
    %logistic3A_140 = vector.broadcast %logistic3A_139 : f32 to vector<256x512xf32>
    %logistic3A_141 = arith.addf %logistic3A_140, %logistic3A_138 : vector<256x512xf32>
    %logistic3A_142 = arith.divf %logistic3A_140, %logistic3A_141 : vector<256x512xf32>
    %mul3A_143 = arith.mulf %logistic3A_142, %add3A_114 : vector<256x512xf32>
    %logistic3A_144 = arith.negf %slice3A_133 : vector<256x512xf32>
    %logistic3A_145 = math.exp %logistic3A_144 : vector<256x512xf32>
    %logistic3A_146 = arith.constant 1.000000e+00 : f32
    %logistic3A_147 = vector.broadcast %logistic3A_146 : f32 to vector<256x512xf32>
    %logistic3A_148 = arith.addf %logistic3A_147, %logistic3A_145 : vector<256x512xf32>
    %logistic3A_149 = arith.divf %logistic3A_147, %logistic3A_148 : vector<256x512xf32>
    %tanh3A_150 = math.tanh %slice3A_135 : vector<256x512xf32>
    %mul3A_151 = arith.mulf %logistic3A_149, %tanh3A_150 : vector<256x512xf32>
    %add3A_152 = arith.addf %mul3A_143, %mul3A_151 : vector<256x512xf32>
    %logistic3A_153 = arith.negf %slice3A_136 : vector<256x512xf32>
    %logistic3A_154 = math.exp %logistic3A_153 : vector<256x512xf32>
    %logistic3A_155 = arith.constant 1.000000e+00 : f32
    %logistic3A_156 = vector.broadcast %logistic3A_155 : f32 to vector<256x512xf32>
    %logistic3A_157 = arith.addf %logistic3A_156, %logistic3A_154 : vector<256x512xf32>
    %logistic3A_158 = arith.divf %logistic3A_156, %logistic3A_157 : vector<256x512xf32>
    %tanh3A_159 = math.tanh %add3A_152 : vector<256x512xf32>
    %mul3A_160 = arith.mulf %logistic3A_158, %tanh3A_159 : vector<256x512xf32>
    %slice3A_161 = vector.extract_strided_slice %mul3A_160 {offsets = [0, 0], sizes = [256, 256], strides = [1, 1]} : vector<256x512xf32> to vector<256x256xf32>
    %add3A_162 = arith.addf %add3A_50, %slice3A_161 : vector<256x256xf32>
    %add3A_163 = vector.broadcast %dot_general3A_68 : vector<1x2048xf32> to vector<256x2048xf32>
    %add3A_164 = arith.addf %add3A_63, %add3A_163 : vector<256x2048xf32>
    %get3A_165 = arith.constant 0 : index
    %get3A_166 = arith.constant 0 : index
    %get3A_167 = vector.load %arg12[%get3A_165, %get3A_166] : memref<256x2048xf32, #tpu.memory_space<vmem>>, vector<256x2048xf32>
    %dot_general3A_168 = arith.constant dense<0.000000e+00> : vector<256x2048xf32>
    %dot_general3A_169 = tpu.matmul %add3A_162, %get3A_167, %dot_general3A_168 {dimension_numbers = #tpu.dot_dimension_numbers<[1], [0], [0], [1], [0, 0, 1, 1], [], []>, transpose_lhs_hint = false} : vector<256x256xf32>, vector<256x2048xf32>, vector<256x2048xf32> -> vector<256x2048xf32>
    %add3A_170 = arith.addf %add3A_164, %dot_general3A_169 : vector<256x2048xf32>
    %slice3A_171 = vector.extract_strided_slice %add3A_170 {offsets = [0, 0], sizes = [256, 512], strides = [1, 1]} : vector<256x2048xf32> to vector<256x512xf32>
    %slice3A_172 = vector.extract_strided_slice %add3A_170 {offsets = [0, 512], sizes = [256, 512], strides = [1, 1]} : vector<256x2048xf32> to vector<256x512xf32>
    %slice3A_173 = vector.extract_strided_slice %add3A_170 {offsets = [0, 1024], sizes = [256, 512], strides = [1, 1]} : vector<256x2048xf32> to vector<256x512xf32>
    %slice3A_174 = vector.extract_strided_slice %add3A_170 {offsets = [0, 1536], sizes = [256, 512], strides = [1, 1]} : vector<256x2048xf32> to vector<256x512xf32>
    %logistic3A_175 = arith.negf %slice3A_172 : vector<256x512xf32>
    %logistic3A_176 = math.exp %logistic3A_175 : vector<256x512xf32>
    %logistic3A_177 = arith.constant 1.000000e+00 : f32
    %logistic3A_178 = vector.broadcast %logistic3A_177 : f32 to vector<256x512xf32>
    %logistic3A_179 = arith.addf %logistic3A_178, %logistic3A_176 : vector<256x512xf32>
    %logistic3A_180 = arith.divf %logistic3A_178, %logistic3A_179 : vector<256x512xf32>
    %mul3A_181 = arith.mulf %logistic3A_180, %add3A_152 : vector<256x512xf32>
    %logistic3A_182 = arith.negf %slice3A_171 : vector<256x512xf32>
    %logistic3A_183 = math.exp %logistic3A_182 : vector<256x512xf32>
    %logistic3A_184 = arith.constant 1.000000e+00 : f32
    %logistic3A_185 = vector.broadcast %logistic3A_184 : f32 to vector<256x512xf32>
    %logistic3A_186 = arith.addf %logistic3A_185, %logistic3A_183 : vector<256x512xf32>
    %logistic3A_187 = arith.divf %logistic3A_185, %logistic3A_186 : vector<256x512xf32>
    %tanh3A_188 = math.tanh %slice3A_173 : vector<256x512xf32>
    %mul3A_189 = arith.mulf %logistic3A_187, %tanh3A_188 : vector<256x512xf32>
    %add3A_190 = arith.addf %mul3A_181, %mul3A_189 : vector<256x512xf32>
    %logistic3A_191 = arith.negf %slice3A_174 : vector<256x512xf32>
    %logistic3A_192 = math.exp %logistic3A_191 : vector<256x512xf32>
    %logistic3A_193 = arith.constant 1.000000e+00 : f32
    %logistic3A_194 = vector.broadcast %logistic3A_193 : f32 to vector<256x512xf32>
    %logistic3A_195 = arith.addf %logistic3A_194, %logistic3A_192 : vector<256x512xf32>
    %logistic3A_196 = arith.divf %logistic3A_194, %logistic3A_195 : vector<256x512xf32>
    %tanh3A_197 = math.tanh %add3A_190 : vector<256x512xf32>
    %mul3A_198 = arith.mulf %logistic3A_196, %tanh3A_197 : vector<256x512xf32>
    %slice3A_199 = vector.extract_strided_slice %mul3A_198 {offsets = [0, 0], sizes = [256, 256], strides = [1, 1]} : vector<256x512xf32> to vector<256x256xf32>
    %add3A_200 = arith.addf %add3A_50, %slice3A_199 : vector<256x256xf32>
    %mul3A_201 = vector.broadcast %get3A_53 : vector<1x256xf32> to vector<256x256xf32>
    %mul3A_202 = arith.mulf %add3A_200, %mul3A_201 : vector<256x256xf32>
    %reduce_sum3A_203 = arith.constant dense<0.000000e+00> : vector<256xf32>
    %reduce_sum3A_204 = vector.multi_reduction <add>, %mul3A_202, %reduce_sum3A_203 [1] : vector<256x256xf32> to vector<256xf32>
    %broadcast_in_dim3A_205 = vector.shape_cast %reduce_sum3A_204 : vector<256xf32> to vector<256x1xf32>
    %swap3A = arith.constant 0 : index
    %swap3A_206 = arith.constant 0 : index
    %swap3A_207 = vector.load %arg14[%swap3A, %swap3A_206] : memref<256x1xf32, #tpu.memory_space<vmem>>, vector<256x1xf32>
    tpu.vector_store %arg14[%swap3A, %swap3A_206], %broadcast_in_dim3A_205 {strides = array<i32>} : memref<256x1xf32, #tpu.memory_space<vmem>>, vector<256x1xf32>,
    return
  }
  func.func @transform_0(%arg0: i32) -> (i32, i32) {
    %c0_i32 = arith.constant 0 : i32
    %c0_i32_0 = arith.constant 0 : i32
    return %arg0, %c0_i32 : i32, i32
  }
  func.func @transform_1(%arg0: i32) -> (i32, i32) {
    %add3A = arith.constant 16 : i32
    %add3A_0 = arith.addi %arg0, %add3A : i32
    %c0_i32 = arith.constant 0 : i32
    %c0_i32_1 = arith.constant 0 : i32
    return %add3A_0, %c0_i32 : i32, i32
  }
  func.func @transform_2(%arg0: i32) -> (i32, i32) {
    %c0_i32 = arith.constant 0 : i32
    %c0_i32_0 = arith.constant 0 : i32
    %c0_i32_1 = arith.constant 0 : i32
    return %c0_i32, %c0_i32_0 : i32, i32
  }
  func.func @transform_3(%arg0: i32) -> (i32, i32) {
    %c0_i32 = arith.constant 0 : i32
    %c0_i32_0 = arith.constant 0 : i32
    %c0_i32_1 = arith.constant 0 : i32
    return %c0_i32, %c0_i32_0 : i32, i32
  }
  func.func @transform_4(%arg0: i32) -> (i32, i32) {
    %c0_i32 = arith.constant 0 : i32
    %c0_i32_0 = arith.constant 0 : i32
    %c0_i32_1 = arith.constant 0 : i32
    return %c0_i32, %c0_i32_0 : i32, i32
  }
  func.func @transform_5(%arg0: i32) -> (i32, i32) {
    %c0_i32 = arith.constant 0 : i32
    %c0_i32_0 = arith.constant 0 : i32
    %c0_i32_1 = arith.constant 0 : i32
    return %c0_i32, %c0_i32_0 : i32, i32
  }
  func.func @transform_6(%arg0: i32) -> (i32, i32) {
    %c0_i32 = arith.constant 0 : i32
    %c0_i32_0 = arith.constant 0 : i32
    %c0_i32_1 = arith.constant 0 : i32
    return %c0_i32, %c0_i32_0 : i32, i32
  }
  func.func @transform_7(%arg0: i32) -> (i32, i32) {
    %c0_i32 = arith.constant 0 : i32
    %c0_i32_0 = arith.constant 0 : i32
    %c0_i32_1 = arith.constant 0 : i32
    return %c0_i32, %c0_i32_0 : i32, i32
  }
  func.func @transform_8(%arg0: i32) -> (i32, i32) {
    %c0_i32 = arith.constant 0 : i32
    %c0_i32_0 = arith.constant 0 : i32
    %c0_i32_1 = arith.constant 0 : i32
    return %c0_i32, %c0_i32_0 : i32, i32
  }
  func.func @transform_9(%arg0: i32) -> (i32, i32) {
    %c0_i32 = arith.constant 0 : i32
    %c0_i32_0 = arith.constant 0 : i32
    %c0_i32_1 = arith.constant 0 : i32
    return %c0_i32, %c0_i32_0 : i32, i32
  }
  func.func @transform_10(%arg0: i32) -> (i32, i32) {
    %c0_i32 = arith.constant 0 : i32
    %c0_i32_0 = arith.constant 0 : i32
    %c0_i32_1 = arith.constant 0 : i32
    return %c0_i32, %c0_i32_0 : i32, i32
  }
  func.func @transform_11(%arg0: i32) -> (i32, i32) {
    %c0_i32 = arith.constant 0 : i32
    %c0_i32_0 = arith.constant 0 : i32
    %c0_i32_1 = arith.constant 0 : i32
    return %c0_i32, %c0_i32_0 : i32, i32
  }
  func.func @transform_12(%arg0: i32) -> (i32, i32) {
    %c0_i32 = arith.constant 0 : i32
    %c0_i32_0 = arith.constant 0 : i32
    %c0_i32_1 = arith.constant 0 : i32
    return %c0_i32, %c0_i32_0 : i32, i32
  }
  func.func @transform_13(%arg0: i32) -> (i32, i32) {
    %c0_i32 = arith.constant 0 : i32
    %c0_i32_0 = arith.constant 0 : i32
    return %arg0, %c0_i32 : i32, i32
  }
}

</mosaic_0001>

<sc_bundles>
// kernel: kernel.6.cloned.1.call-start
scs
__scs_entry_jumppad:
0x0: {  	(pc) =	sbr.rel $0x88, $3  }
0x1: {  	(tag) =	ssettag $0x0;
	lr =	simm.s32 $0x1  }
0x2: {  	[smem:$0x3F8A] =	sst lr;
	_ =	strace $0xD0000000  }
0x3: {  	_ = 	snop  }
0x4: {  	_ = 	snop  }
0x5: {  	_ = 	snop  }
0x6: {  	_ = 	snop  }
0x7: {  	_ = 	snop  }
__scs_overlays_trampoline_lowered:
0x8: {  	[smem:$0x3F99] =	sst s0  }
0x9: {  	[smem:$0x3F9A] =	sst s1  }
0xa: {  	[smem:$0x3F9B] =	sst s2  }
0xb: {  	[smem:$0x3F9C] =	sst s3  }
0xc: {  	[smem:$0x3F9D] =	sst s4  }
0xd: {  	[smem:$0x3F9E] =	sst s5  }
0xe: {  	[smem:$0x3F9F] =	sst s6  }
0xf: {  	[smem:$0x3FA0] =	sst s7  }
0x10: {  	[smem:$0x3FA1] =	sst s8  }
0x11: {  	[smem:$0x3FA2] =	sst s9;
	s0 =	simm.s32 @!p0 $0x0  }
0x12: {  	s1 =	sld [smem:$0x3F88];
	s0 =	simm.s32 @p0 $0x1  }
0x13: {  	[smem:$0x3FA3] =	sst s0;
	s0 =	simm.s32 @!p1 $0x0  }
0x14: {  	s2 =	sld [smem:$0x3F87];
	s0 =	simm.s32 @p1 $0x1  }
0x15: {  	[smem:$0x3FA4] =	sst s0;
	s0 =	simm.s32 @!p2 $0x0  }
0x16: {  	s3 =	sld [smem:$0x3FDB];
	s0 =	simm.s32 @p2 $0x1  }
0x17: {  	s4 =	simm.s32 $0x1BF5;
	[smem:$0x3FA6] =	sst s0  }
0x18: {  	s0 =	sld [smem:$0x3F89];
	_ =	swait.ge [sflag:s4], $0x0  }
0x19: {  	s7 =	sld [smem:$0x3F8A]  }
0x1a: {  	s8 =	sadd.s32 $0xFFFFE003, lr  }
0x1b: {  	s9 =	sadd.s32 $0xFFFFFEF7, lr;
	s5 =	simm.s32 $0xFFFFFFFF;
	p2 =	slt.u32 s8, $0xFFFFF086  }
0x1c: {  	p1 =	slt.u32 s9, $0xF7A;
	s5 =	simm.s32 @!p2 $0x0  }
0x1d: {  	s5 =	simm.s32 @p1 $0x1;
	p0 =	seq.s32 s7, s2  }
0x1e: {  	s7 =	smul.u32 @!p0 $0xF7A, s2;
	p2 =	seq.s32 @!p0 s5, $0x0  }
0x1f: {  	s9 =	smul.u32 $0xF7A, s1;
	s8 =	simm.s32 @!p0 $0x1BF5;
	p2 =	por !p2, p0  }
0x20: {  	[sflag:s8] =	ssyncset.s32 @!p0 $0xFFFFF086;
	s6 =	sadd.s32 @!p0 s3, s7;
	s7 =	simm.s32 @!p0 $0x108  }
0x21: {  	s3 =	sadd.s32 s3, s9;
	s6 =	sadd.s32 @!p0 $0x88, s6;
	s7 =	simm.s32 @p2 $0x1082  }
0x22: {  	[simem:s7], [sflag:s8] =	dma.local @!p0 [hbm:s6], $0xF7A  }
0x23: {  	s9 =	sor.u32 $0xD0000000, s2;
	s6 =	simm.s32 $0x108;
	_ =	swait.ge @!p0 [sflag:s8], $0x0  }
0x24: {  	s3 =	sadd.s32 $0x88, s3;
	s6 =	simm.s32 @!p1 $0x1082;
	[sflag:s4] =	ssyncset.s32 $0xFFFFF086  }
0x25: {  	[simem:s6], [sflag:s4] =	dma.local [hbm:s3], $0xF7A  }
0x26: {  	[smem:$0x3F8A] =	sst s1;
	(tag) =	ssettag s2;
	_ =	strace s9  }
0x27: {  	s1 =	sld [smem:$0x3F9A]  }
0x28: {  	s2 =	sld [smem:$0x3F9B]  }
0x29: {  	s4 =	sld [smem:$0x3F9D]  }
0x2a: {  	p0 =	seq.s32 s5, $0x0;
	s5 =	sld [smem:$0x3F9E]  }
0x2b: {  	s6 =	sld [smem:$0x3F9F]  }
0x2c: {  	s7 =	sld [smem:$0x3FA0]  }
0x2d: {  	s3 =	simm.s32 $0x108;
	s8 =	sld [smem:$0x3FA1]  }
0x2e: {  	s3 =	simm.s32 @!p0 $0x1082;
	s9 =	sld [smem:$0x3FA2]  }
0x2f: {  	lr =	sadd.s32 s0, s3;
	s0 =	sld [smem:$0x3F99]  }
0x30: {  	s3 =	sld [smem:$0x3F9C]  }
0x31: {  	[smem:$0x3FA5] =	sst s10  }
0x32: {  	s10 =	sld [smem:$0x3FA3];
	_ =	sdelay $0x3  }
0x33: {  	p0 =	seq.s32 s10, $0x1;
	s10 =	sld [smem:$0x3FA5];
	_ =	sdelay $0x3  }
0x34: {  	[smem:$0x3FA5] =	sst s10  }
0x35: {  	s10 =	sld [smem:$0x3FA4];
	_ =	sdelay $0x3  }
0x36: {  	p1 =	seq.s32 s10, $0x1;
	s10 =	sld [smem:$0x3FA5];
	_ =	sdelay $0x3  }
0x37: {  	[smem:$0x3FA5] =	sst s10  }
0x38: {  	s10 =	sld [smem:$0x3FA6]  }
0x39: {  	_ = 	snop;
	(pc) =	sbr.ind lr, $3  }
0x3a: {  	_ = 	snop  }
0x3b: {  	_ = 	snop  }
0x3c: {  	p2 =	seq.s32 s10, $0x1;
	s10 =	sld [smem:$0x3FA5]  }
0x3d: {  	_ =	shalt  }
0x3e: {  	_ =	shalt  }
0x3f: {  	_ =	shalt  }
0x40: {  	_ =	shalt  }
0x41: {  	_ =	shalt  }
0x42: {  	_ =	shalt  }
0x43: {  	_ =	shalt  }
0x44: {  	_ =	shalt  }
0x45: {  	_ =	shalt  }
0x46: {  	_ =	shalt  }
0x47: {  	_ =	shalt  }
0x48: {  	_ =	shalt  }
0x49: {  	_ =	shalt  }
0x4a: {  	_ =	shalt  }
0x4b: {  	_ =	shalt  }
0x4c: {  	_ =	shalt  }
0x4d: {  	_ =	shalt  }
0x4e: {  	_ =	shalt  }
0x4f: {  	_ =	shalt  }
0x50: {  	_ =	shalt  }
0x51: {  	_ =	shalt  }
0x52: {  	_ =	shalt  }
0x53: {  	_ =	shalt  }
0x54: {  	_ =	shalt  }
0x55: {  	_ =	shalt  }
0x56: {  	_ =	shalt  }
0x57: {  	_ =	shalt  }
0x58: {  	_ =	shalt  }
0x59: {  	_ =	shalt  }
0x5a: {  	_ =	shalt  }
0x5b: {  	_ =	shalt  }
0x5c: {  	_ =	shalt  }
0x5d: {  	_ =	shalt  }
0x5e: {  	_ =	shalt  }
0x5f: {  	_ =	shalt  }
0x60: {  	_ =	shalt  }
0x61: {  	_ =	shalt  }
0x62: {  	_ =	shalt  }
0x63: {  	_ =	shalt  }
0x64: {  	_ =	shalt  }
0x65: {  	_ =	shalt  }
0x66: {  	_ =	shalt  }
0x67: {  	_ =	shalt  }
0x68: {  	_ =	shalt  }
0x69: {  	_ =	shalt  }
0x6a: {  	_ =	shalt  }
0x6b: {  	_ =	shalt  }
0x6c: {  	_ =	shalt  }
0x6d: {  	_ =	shalt  }
0x6e: {  	_ =	shalt  }
0x6f: {  	_ =	shalt  }
0x70: {  	_ =	shalt  }
0x71: {  	_ =	shalt  }
0x72: {  	_ =	shalt  }
0x73: {  	_ =	shalt  }
0x74: {  	_ =	shalt  }
0x75: {  	_ =	shalt  }
0x76: {  	_ =	shalt  }
0x77: {  	_ =	shalt  }
0x78: {  	_ =	shalt  }
0x79: {  	_ =	shalt  }
0x7a: {  	_ =	shalt  }
0x7b: {  	_ =	shalt  }
0x7c: {  	_ =	shalt  }
0x7d: {  	_ =	shalt  }
0x7e: {  	_ =	shalt  }
0x7f: {  	_ =	shalt  }
0x80: {  	_ =	shalt  }
0x81: {  	_ =	shalt  }
0x82: {  	_ =	shalt  }
0x83: {  	_ =	shalt  }
0x84: {  	_ =	shalt  }
0x85: {  	_ =	shalt  }
0x86: {  	_ =	shalt  }
0x87: {  	_ =	shalt  }
.Lfunc_end0:
.L_simem_size_0:
called_computation_lowered:
.L_overlay_start_0:
0x88: {  	s2 =	sld [smem:$0x3FD9]  }
0x89: {  	s3 =	sld [smem:$0x3FFE];
	_ =	sdelay $0x1  }
0x8a: {  	s1 =	srdreg.scid  }
0x8b: {  	s0 =	sand.u32 $0x1, s1  }
0x8c: {  	s17 =	sshll.u32 s0, $0xA;
	s2 =	sadd.s32 s3, s2  }
0x8d: {  	s2 =	sadd.s32 s2, s17  }
0x8e: {  	[smem:$0x3FB1] =	sst s2  }
0x8f: {  	_ = 	snop  }
0x90: {  	s2 =	sld [smem:$0x3FC3];
	(tm) =	ssettm $0x1  }
0x91: {  	s18 =	sld [smem:$0x3FFB];
	_ =	sdelay $0x3  }
0x92: {  	_ =	strace s18  }
0x93: {  	s3 =	sld [smem:$0x3FFC];
	_ =	sdelay $0x3  }
0x94: {  	_ =	strace s3  }
0x95: {  	s3 =	sld [smem:$0x3FFD];
	_ =	sdelay $0x3  }
0x96: {  	_ =	strace s3  }
0x97: {  	_ =	strace $0x8FFFFFFF  }
0x98: {  	s19 =	sld [smem:$0x3FDB];
	_ =	sdelay $0x1  }
0x99: {  	s4 =	simm.s32 $_scs_section_size  }
0x9a: {  	s5 =	simm.s32 $_size__tile_overlayer_lowered;
	s6 =	simm.s32 $_tile_overlayer_lowered  }
0x9b: {  	s22 =	simm.s32 $0x1BFF;
	s21 =	sshll.u32 s6, $0x1;
	s3 =	sadd.s32 s4, s19  }
0x9c: {  	s7 =	simm.s32 $0x0;
	s20 =	sshll.u32 s5, $0x1;
	s5 =	sadd.s32 s21, s3  }
0x9d: {  	[timem:s7], [sflag:s22] =	dma.local [hbm:s5], s20  }
0x9e: {  	_ =	swait.ge [sflag:s22], s20  }
0x9f: {  	s4 =	ssub.s32 $0x0, s20;
	[sflag:s22] =	ssyncset.done $0x0  }
0xa0: {  	[sflag:s22] =	ssyncadd.s32 s4;
	_ =	sdelay $0x1  }
0xa1: {  	s23 =	simm.s32 $0x1B8B  }
0xa2: {  	_ =	swait.ge [sflag:s23], $0x1  }
0xa3: {  	[sflag:s23] =	ssyncset.done $0x0  }
0xa4: {  	s25 =	simm.s32 $0x1B8E;
	s24 =	sld [smem:$0x3FFE];
	[sflag:s23] =	ssyncadd.s32 $0xFFFFFFFF  }
0xa5: {  	s26 =	simm.s32 $execute0_lowered;
	[smem:$0x3FD2] =	sst s25  }
0xa6: {  	s5 =	sshll.u32 s26, $0x1;
	_ =	strace $0x80000046;
	[dreg:$0x1] =	wrdreg $0xFFFFFFFF  }
0xa7: {  	s28 =	simm.s32 $_size_execute0_lowered;
	s3 =	sadd.s32 s3, s5;
	[dreg:$0x0] =	wrdreg $0x0  }
0xa8: {  	s5 =	sshll.u32 s28, $0x1;
	[dreg:$0x2] =	wrdreg s3  }
0xa9: {  	[dreg:$0x3] =	wrdreg s5  }
0xaa: {  	[dreg:$0x4] =	wrdreg $0xC0  }
0xab: {  	_ =	task [dreg:s7], $0x5FFFF  }
0xac: {  	[dreg:$0x1] =	wrdreg $0xFFFFFFFF  }
0xad: {  	[dreg:$0x0] =	wrdreg $0x60  }
0xae: {  	[dreg:$0x2] =	wrdreg s2  }
0xaf: {  	[dreg:$0x3] =	wrdreg s24  }
0xb0: {  	[dreg:$0x4] =	wrdreg $0x9  }
0xb1: {  	_ =	task.clear_ibuf [dreg:s7], $0x5FFFF;
	_ =	strace $0x90000046  }
0xb2: {  	s29 =	simm.s32 $0x9;
	_ =	strace $0x80000048  }
0xb3: {  	_ =	swait.ge [sflag:s29], $0x1  }
0xb4: {  	[sflag:s29] =	ssyncadd.s32 $0xFFFFFFFF  }
0xb5: {  	_ =	strace $0x90000048  }
0xb6: {  	_ =	sfence  }
0xb7: {  	s30 =	sld [smem:$0x0];
	_ =	sdelay $0x2  }
0xb8: {  	s31 =	sshll.u32 s1, $0xD;
	s1 =	sshrl.u32 s1, $0x2  }
0xb9: {  	s3 =	sand.u32 $0x4000, s31;
	s1 =	sadd.s32 s1, s30  }
0xba: {  	s0 =	sor.u32 s3, s0;
	s1 =	sshll.u32 s1, $0x11  }
0xbb: {  	s0 =	sor.u32 s1, s0  }
0xbc: {  	s0 =	sadd.s32 $0x8F2B, s0  }
0xbd: {  	[sflag:s0] =	ssyncadd.remote.s32 $0x1  }
0xbe: {  	_ =	sfence.sel $0xFFFF  }
0xbf: {  	[dreg:$0x0] =	wrdreg $0xFFFFFFFF;
	(pc) =	sbr.abs _section_cstart, $3  }
0xc0: {  	[dreg:$0x1] =	wrdreg $0xFFFFFFFF  }
0xc1: {  	_ =	task.clear_ibuf [dreg:s7], $0x2FFFF;
	_ =	strace $0x9FFFFFFF  }
0xc2: {  	(tm) =	ssettm $0x7FFFFFFF  }
0xc3: {  	_ =	shalt  }
tec
execute0_lowered:
.L_overlay_start_1:
0x0: {  	(tag) =	ssettag $0x1  }
0x1: {  	s1 =	rddreg [dreg:$0x0]  }
0x2: {  	s7 =	rddreg [dreg:$0x1]  }
0x3: {  	s0 =	rddreg [dreg:$0x2];
	s3 =	simm.s32 $0x0  }
0x4: {  	s4 =	srdreg.scid;
	s2 =	stileid.u32;
	s17 =	simm.s32 $0x100  }
0x5: {  	s18 =	simm.s32 $0x4100;
	s19 =	simm.s32 $0x1;
	s20 =	simm.s32 $0x2  }
0x6: {  	s21 =	simm.s32 $0x8100;
	s22 =	simm.s32 $0x58;
	s23 =	simm.s32 $0x8180  }
0x7: {  	s24 =	simm.s32 $0x0;
	[smem:$0x7FF] =	sst s3;
	s6 =	sand.u32 $0x1, s4  }
0x8: {  	s8 =	sshll.u32 s2, $0x1;
	s4 =	sadd.s32 $0x2800, s7;
	s5 =	sadd.s32 $0x12C00, s7  }
0x9: {  	s13 =	sadd.s32 $0x23000, s7;
	s14 =	sadd.s32 $0x23600, s7;
	s8 =	sor.u32 s6, s8  }
0xa: {  	_ =	strace $0x80000047;
	s9 =	ssub.s32 $0x2, s6;
	s12 =	smul.u32 $0x108, s8  }
0xb: {  	s6 =	sadd.s32 $0x44600, s7;
	s29 =	sshrl.u32 s9, $0x1;
	s11 =	smul.u32 $0x1080, s8  }
0xc: {  	s7 =	smul.u32 $0x4100, s8;
	s9 =	ssub.s32 s9, s29;
	s10 =	sshrl.u32 s12, $0x3  }
0xd: {  	s15 =	sadd.s32 $0x58, s12;
	s9 =	smax.u32 s9, $0x1;
	s16 =	sadd.s32 $0xB0, s12  }
0xe: {  	s8 =	sadd.s32 s13, s10;
	s10 =	sadd.s32 s14, s11;
	s30 =	sshrl.u32 s15, $0x3  }
0xf: {  	s15 =	sshll.u32 s15, $0x4;
	s31 =	sshrl.u32 s16, $0x3;
	s16 =	sshll.u32 s16, $0x4  }
0x10: {  	s11 =	sadd.s32 s13, s30;
	s12 =	sadd.s32 s14, s15;
	s13 =	sadd.s32 s13, s31  }
0x11: {  	s14 =	sadd.s32 s14, s16;
	s15 =	simm.s32 $0x3;
	s16 =	simm.s32 $0x80  }
.LBB2_1:
0x12: {  	s25 =	simm.s32 $0x0  }
.LBB2_2:
0x13: {  	s26 =	sshll.u32 s25, $0x7  }
0x14: {  	s26 =	sadd.s32 s7, s26  }
0x15: {  	s28 =	sshrl.u32 s26, $0x3  }
0x16: {  	s30 =	simm.s32 $0x0;
	s29 =	sadd.s32 s4, s28  }
0x17: {  	[tilespmem:s30], [sflag:$0x3] =	stream.linear.gather [hbm4b:s29+s30], $0x80, $0x38;
	[tilespmem:$0xAD80] =	vst v63  }
0x18: {  	_ =	swait.ge [sflag:s15], $0x80  }
0x19: {  	[sflag:s15] =	ssyncset.done $0x0  }
0x1a: {  	s28 =	sadd.s32 s5, s28;
	[sflag:s15] =	ssyncadd.s32 $0xFFFFFF80  }
0x1b: {  	[tilespmem:s16], [sflag:$0x3] =	stream.linear.gather [hbm4b:s28+s30], $0x80, $0x38;
	[tilespmem:$0xAD80] =	vst v63  }
0x1c: {  	_ =	swait.ge [sflag:s15], $0x80  }
0x1d: {  	[sflag:s15] =	ssyncset.done $0x0  }
0x1e: {  	[sflag:s15] =	ssyncadd.s32 $0xFFFFFF80  }
0x1f: {  	[tilespmem:s17], [sflag:$0x1] =	stream.indirect.gather [hbm4b:s1+s16], $0x80, s30, s16, $0xb8;
	[tilespmem:$0xAD80] =	vst v63  }
0x20: {  	_ = 	snop  }
0x21: {  	[tilespmem:s18], [sflag:$0x2] =	stream.indirect.gather [hbm4b:s1+s16], $0x80, s16, s16, $0xb8;
	[tilespmem:$0xAD80] =	vst v63  }
0x22: {  	_ =	swait.ge [sflag:s19], $0x4000  }
0x23: {  	[sflag:s19] =	ssyncset.done $0x0  }
0x24: {  	[sflag:s19] =	ssyncadd.s32 $0xFFFFC000  }
0x25: {  	_ =	swait.ge [sflag:s20], $0x4000  }
0x26: {  	[sflag:s20] =	ssyncset.done $0x0  }
0x27: {  	s28 =	simm.s32 $0x0;
	[sflag:s20] =	ssyncadd.s32 $0xFFFFC000  }
0x28: {  	v7 =	vld [tilespmem:s28+$0x4100]  }
0x29: {  	v11 =	vld [tilespmem:s28+$0x4110]  }
0x2a: {  	v5 =	vld [tilespmem:s28+$0x4120]  }
0x2b: {  	v4 =	vld [tilespmem:s28+$0x4130]  }
0x2c: {  	v3 =	vld [tilespmem:s28+$0x4140]  }
0x2d: {  	v2 =	vld [tilespmem:s28+$0x4150]  }
0x2e: {  	v1 =	vld [tilespmem:s28+$0x4160]  }
0x2f: {  	v0 =	vld [tilespmem:s28+$0x4170]  }
0x30: {  	v12 =	vld [tilespmem:s28+$0x100]  }
0x31: {  	v13 =	vld [tilespmem:s28+$0x110]  }
0x32: {  	v10 =	vld [tilespmem:s28+$0x120]  }
0x33: {  	v9 =	vld [tilespmem:s28+$0x130]  }
0x34: {  	v8 =	vld [tilespmem:s28+$0x140]  }
0x35: {  	v6 =	vld [tilespmem:s28+$0x150];
	v12 =	vmul.f32 v7, v12  }
0x36: {  	s29 =	simm.s32 $0x200;
	v11 =	vmul.f32 v11, v13;
	v7 =	vld [tilespmem:s28+$0x160]  }
.LBB2_3:
0x37: {  	s30 =	sshra.s32 s29, $0x2;
	p0 =	sne.s32 s29, $0xFE00;
	[tilespmem:s28+$0x100] =	vst v12;
	v5 =	vmul.f32 v5, v10;
	v10 =	vld [tilespmem:s28+$0x170]  }
0x38: {  	v12 =	vld [tilespmem:s30+$0x4100];
	[tilespmem:s28+$0x110] =	vst v11;
	v4 =	vmul.f32 v4, v9  }
0x39: {  	v11 =	vld [tilespmem:s30+$0x4110];
	[tilespmem:s28+$0x120] =	vst v5;
	v3 =	vmul.f32 v3, v8  }
0x3a: {  	v5 =	vld [tilespmem:s30+$0x4120];
	[tilespmem:s28+$0x130] =	vst v4;
	v2 =	vmul.f32 v2, v6  }
0x3b: {  	v4 =	vld [tilespmem:s30+$0x4130];
	[tilespmem:s28+$0x140] =	vst v3;
	v1 =	vmul.f32 v1, v7  }
0x3c: {  	v3 =	vld [tilespmem:s30+$0x4140];
	[tilespmem:s28+$0x150] =	vst v2;
	v0 =	vmul.f32 v0, v10  }
0x3d: {  	v2 =	vld [tilespmem:s30+$0x4150];
	[tilespmem:s28+$0x160] =	vst v1  }
0x3e: {  	v1 =	vld [tilespmem:s30+$0x4160];
	[tilespmem:s28+$0x170] =	vst v0;
	s28 =	smov.u32 s30  }
0x3f: {  	v0 =	vld [tilespmem:s28+$0x4170]  }
0x40: {  	v6 =	vld [tilespmem:s28+$0x100]  }
0x41: {  	v7 =	vld [tilespmem:s28+$0x110]  }
.Ltmp0:
0x42: {  	v10 =	vld [tilespmem:s28+$0x120];
	(pc) =	sbr.rel @p0 .LBB2_3-.Ltmp0, $4  }
0x43: {  	v9 =	vld [tilespmem:s28+$0x130]  }
0x44: {  	v8 =	vld [tilespmem:s28+$0x140]  }
0x45: {  	v12 =	vmul.f32 v12, v6;
	v6 =	vld [tilespmem:s28+$0x150]  }
0x46: {  	s29 =	sadd.s32 $0x200, s29;
	v11 =	vmul.f32 v11, v7;
	v7 =	vld [tilespmem:s28+$0x160]  }
0x47: {  	[tilespmem:s28+$0x100] =	vst v12;
	v5 =	vmul.f32 v5, v10;
	v63 =	vld [tilespmem:s28+$0x170]  }
0x48: {  	[tilespmem:s28+$0x110] =	vst v11;
	v4 =	vmul.f32 v4, v9  }
0x49: {  	[tilespmem:s28+$0x120] =	vst v5;
	v3 =	vmul.f32 v3, v8  }
0x4a: {  	[tilespmem:s28+$0x130] =	vst v4;
	v2 =	vmul.f32 v2, v6  }
0x4b: {  	[tilespmem:s28+$0x140] =	vst v3;
	v1 =	vmul.f32 v1, v7  }
0x4c: {  	s25 =	sadd.s32 $0x1, s25;
	[tilespmem:s28+$0x150] =	vst v2;
	v0 =	vmul.f32 v0, v63  }
0x4d: {  	s26 =	sshll.u32 s26, $0x4;
	p0 =	sne.s32 s25, $0x82;
	[tilespmem:s28+$0x160] =	vst v1  }
.Ltmp1:
0x4e: {  	s26 =	sadd.s32 s6, s26;
	[tilespmem:s28+$0x170] =	vst v0;
	(pc) =	sbr.rel @p0 .LBB2_2-.Ltmp1, $4  }
0x4f: {  	[hbm4b:s26+s3] =	stream.linear.scatter [tilespmem:s17], [sflag:$0x3], $0x4000, $0x38;
	[tilespmem:$0xAD80] =	vst v63  }
0x50: {  	_ =	swait.ge [sflag:s15], $0x4000  }
0x51: {  	[sflag:s15] =	ssyncset.done $0x0  }
0x52: {  	[sflag:s15] =	ssyncadd.s32 $0xFFFFC000  }
0x53: {  	[tilespmem:s21], [sflag:$0x3] =	stream.linear.gather [hbm4b:s8+s3], $0x58, $0x38;
	[tilespmem:$0xAD80] =	vst v63  }
0x54: {  	_ =	swait.ge [sflag:s15], $0x58  }
0x55: {  	[sflag:s15] =	ssyncset.done $0x0  }
0x56: {  	[sflag:s15] =	ssyncadd.s32 $0xFFFFFFA8  }
0x57: {  	[tilespmem:s23], [sflag:$0x1] =	stream.indirect.gather [hbm4b:s1+s22], $0x80, s21, s22, $0xb8;
	[tilespmem:$0xAD80] =	vst v63  }
0x58: {  	_ =	swait.ge [sflag:s19], $0x2C00  }
0x59: {  	[sflag:s19] =	ssyncset.done $0x0  }
0x5a: {  	[sflag:s19] =	ssyncadd.s32 $0xFFFFD400  }
0x5b: {  	[hbm4b:s10+s3] =	stream.linear.scatter [tilespmem:s23], [sflag:$0x3], $0x2C00, $0x38;
	[tilespmem:$0xAD80] =	vst v63  }
0x5c: {  	_ =	swait.ge [sflag:s15], $0x2C00  }
0x5d: {  	[sflag:s15] =	ssyncset.done $0x0  }
0x5e: {  	[sflag:s15] =	ssyncadd.s32 $0xFFFFD400  }
0x5f: {  	[tilespmem:s21], [sflag:$0x3] =	stream.linear.gather [hbm4b:s11+s3], $0x58, $0x38;
	[tilespmem:$0xAD80] =	vst v63  }
0x60: {  	_ =	swait.ge [sflag:s15], $0x58  }
0x61: {  	[sflag:s15] =	ssyncset.done $0x0  }
0x62: {  	[sflag:s15] =	ssyncadd.s32 $0xFFFFFFA8  }
0x63: {  	[tilespmem:s23], [sflag:$0x1] =	stream.indirect.gather [hbm4b:s1+s22], $0x80, s21, s22, $0xb8;
	[tilespmem:$0xAD80] =	vst v63  }
0x64: {  	_ =	swait.ge [sflag:s19], $0x2C00  }
0x65: {  	[sflag:s19] =	ssyncset.done $0x0  }
0x66: {  	[sflag:s19] =	ssyncadd.s32 $0xFFFFD400  }
0x67: {  	[hbm4b:s12+s3] =	stream.linear.scatter [tilespmem:s23], [sflag:$0x3], $0x2C00, $0x38;
	[tilespmem:$0xAD80] =	vst v63  }
0x68: {  	_ =	swait.ge [sflag:s15], $0x2C00  }
0x69: {  	[sflag:s15] =	ssyncset.done $0x0  }
0x6a: {  	[sflag:s15] =	ssyncadd.s32 $0xFFFFD400  }
0x6b: {  	[tilespmem:s21], [sflag:$0x3] =	stream.linear.gather [hbm4b:s13+s3], $0x58, $0x38;
	[tilespmem:$0xAD80] =	vst v63  }
0x6c: {  	_ =	swait.ge [sflag:s15], $0x58  }
0x6d: {  	[sflag:s15] =	ssyncset.done $0x0  }
0x6e: {  	[sflag:s15] =	ssyncadd.s32 $0xFFFFFFA8  }
0x6f: {  	[tilespmem:s23], [sflag:$0x1] =	stream.indirect.gather [hbm4b:s1+s22], $0x80, s21, s22, $0xb8;
	[tilespmem:$0xAD80] =	vst v63  }
0x70: {  	s24 =	sadd.s32 $0x1, s24;
	_ =	swait.ge [sflag:s19], $0x2C00  }
0x71: {  	p0 =	sne.s32 s24, s9;
	[sflag:s19] =	ssyncset.done $0x0  }
.Ltmp2:
0x72: {  	[sflag:s19] =	ssyncadd.s32 $0xFFFFD400;
	(pc) =	sbr.rel @p0 .LBB2_1-.Ltmp2, $4  }
0x73: {  	[hbm4b:s14+s3] =	stream.linear.scatter [tilespmem:s23], [sflag:$0x3], $0x2C00, $0x38;
	[tilespmem:$0xAD80] =	vst v63  }
0x74: {  	_ =	swait.ge [sflag:s15], $0x2C00  }
0x75: {  	[sflag:s15] =	ssyncset.done $0x0  }
0x76: {  	[sflag:s15] =	ssyncadd.s32 $0xFFFFD400  }
0x77: {  	_ =	sfence.sel $0x180000  }
0x78: {  	[bflag:$0x0] =	sbarrier.arrive $0xFFFF  }
0x79: {  	p0 =	sne.s32 s2, $0x0;
	_ =	strace $0x90000047  }
0x7a: {  	s0 =	sadd.s32 @!p0 $0x100000, s0;
	[bflag:$0x2] =	sbarrier.arrive $0xFFFF  }
0x7b: {  	[sflag:s0] =	ssyncadd.tile.s32 @!p0 $0x1;
	_ =	shalt  }
.Lfunc_end2:
_tile_overlayer_lowered:
.L_overlay_start_2:
0x7c: {  	(tag) =	ssettag $0x2  }
0x7d: {  	s0 =	rddreg [dreg:$0x0];
	s2 =	stileid.u32  }
0x7e: {  	s1 =	rddreg [dreg:$0x1];
	p0 =	sne.s32 s2, $0x0  }
0x7f: {  	s3 =	rddreg [dreg:$0x2];
	[bflag:$0x3] =	sbarrier.arrive $0xFFFF;
	s2 =	simm.s32 @!p0 $0x1C03  }
0x80: {  	[timem:s3], [sflag:s2] =	dma.local @!p0 [hbm:s0], s1  }
0x81: {  	s0 =	simm.s32 @!p0 $0x3  }
0x82: {  	_ =	swait.ge @!p0 [sflag:s0], s1  }
0x83: {  	s1 =	ssub.s32 @!p0 $0x0, s1;
	[sflag:s0] =	ssyncset.done @!p0 $0x0  }
0x84: {  	[sflag:s0] =	ssyncadd.s32 @!p0 s1  }
0x85: {  	[bflag:$0x3] =	sbarrier.arrive $0xFFFF  }
0x86: {  	_ =	shalt  }

</sc_bundles>
